<compile_context>
chip_gen: v7x
topology: tpu7x:2x2x1
jax: 0.10.2.dev20260603
libtpu: 0.0.44.dev20260713+nightly
codegen_flags: <defaults>
</compile_context>

<pallas_src>
import functools

import jax
import jax.numpy as jnp
from jax import lax
from jax.experimental import pallas as pl
from jax.experimental.pallas import tpu as pltpu
from jax.experimental.pallas import tpu_sc as plsc

NC = 2
NS = 16
NW = NC * NS
CHUNK = 128
PADDIM = 128
NBUF = 5
LEAD = 3


@functools.cache
def _build_gather(n_chunks: int, dim: int):
    assert n_chunks % NBUF == 0
    mesh = plsc.VectorSubcoreMesh(core_axis_name="c", subcore_axis_name="s")

    @functools.partial(
        pl.kernel,
        out_type=jax.ShapeDtypeStruct((NW, n_chunks, CHUNK, dim), jnp.float32),
        mesh=mesh,
        scratch_types=[
            pltpu.VMEM((n_chunks, CHUNK), jnp.int32),
            pltpu.VMEM((NBUF, CHUNK, PADDIM), jnp.float32),
            [pltpu.SemaphoreType.DMA] * NBUF,
            [pltpu.SemaphoreType.DMA] * NBUF,
        ],
        compiler_params=pltpu.CompilerParams(use_tc_tiling_on_sc=False),
    )
    def emb_kernel(x_hbm, w_hbm, out_hbm, idx_v, rows_v, gsems, osems):
        wid = lax.axis_index("s") * NC + lax.axis_index("c")
        pltpu.sync_copy(x_hbm.at[wid], idx_v)

        def start_gather(j, b):
            pltpu.async_copy(w_hbm.at[idx_v.at[j]], rows_v.at[b], gsems[b])

        def start_out(j, b):
            pltpu.async_copy(
                rows_v.at[b].at[:, :dim], out_hbm.at[wid, j], osems[b]
            )

        def wait_out(j, b):
            pltpu.make_async_copy(
                rows_v.at[b].at[:, :dim], out_hbm.at[wid, j], osems[b]
            ).wait()

        for g in range(LEAD):
            start_gather(g, g % NBUF)

        def group(grp, carry):
            for b in range(NBUF):
                j = grp * NBUF + b
                pltpu.make_async_copy(
                    w_hbm.at[idx_v.at[j]], rows_v.at[b], gsems[b]
                ).wait()
                start_out(j, b)
                jn = j + LEAD
                bn = (b + LEAD) % NBUF

                @pl.when(jn < n_chunks)
                def _():
                    @pl.when(jn >= NBUF)
                    def _():
                        wait_out(jn - NBUF, bn)

                    start_gather(jn, bn)

            return carry

        lax.fori_loop(0, n_chunks // NBUF, group, 0, unroll=False)

        for b in range(NBUF):
            wait_out(n_chunks - NBUF + b, b)

    return emb_kernel


def kernel(x, weight):
    batch, hist = x.shape
    n_rows, dim = weight.shape
    total = batch * hist
    n_chunks = total // (NW * CHUNK)
    xf = x.reshape(NW, n_chunks, CHUNK).astype(jnp.int32)
    wpad = jnp.pad(weight, ((0, 0), (0, PADDIM - dim)))
    out = _build_gather(n_chunks, dim)(xf, wpad)
    return out.reshape(batch, hist, dim)

# --- scband reference (transcript-rebuilt; emitter-appended) ---
"""Pipeline reference for scband-quant-embedding-21242908246317 (READ-ONLY COPY).

The authoritative reference and input builder live on the scoring server;
editing this copy changes nothing except your own understanding.
"""

import jax, jax.numpy as jnp
import numpy as np

NUM_EMBEDDINGS = 1000000
EMBEDDING_DIM = 64
BATCH = 4096
HIST = 50

def setup_inputs(seed: int = 0) -> dict:
    key = jax.random.key(seed)
    k1, k2 = jax.random.split(key)
    x = jax.random.randint(k1, (BATCH, HIST), 0, NUM_EMBEDDINGS)
    weight = jax.random.normal(k2, (NUM_EMBEDDINGS, EMBEDDING_DIM), dtype=jnp.float32)
    return {"x": x, "weight": weight}

def reference(x, weight):
    # quant_mode=False path of QuantEmbedding.forward:
    # returns (nn.functional.embedding(x, self.weight), None, None)
    # The None sentinels (scaling_factor, offset) are omitted since they carry no data.
    emb = jnp.take(weight, x, axis=0)
    return emb

if __name__ == "__main__":
    import jax
    _d = setup_inputs()
    print(jax.jit(kernel)(*tuple(_d.values())))

</pallas_src>

<mosaic_0001>
#map = affine_map<(d0, d1) -> (0, 0, 0)>
#map1 = affine_map<(d0, d1) -> (0, 0)>
#map2 = affine_map<(d0, d1) -> (0, 0, 0, 0)>
module attributes {stable_mosaic.version = 14 : i64} {
  func.func @emb_kernel(%arg0: i32, %arg1: i32, %arg2: memref<32x50x128xi32, #tpu.memory_space<hbm>>, %arg3: memref<1000000x128xf32, #tpu.memory_space<hbm>>, %arg4: memref<32x50x128x64xf32, #tpu.memory_space<hbm>>, %arg5: memref<50x128xi32, #tpu.memory_space<vmem>>, %arg6: memref<5x128x128xf32, #tpu.memory_space<vmem>>, %arg7: memref<!tpu.dma_semaphore, #tpu.memory_space<semaphore_mem>>, %arg8: memref<!tpu.dma_semaphore, #tpu.memory_space<semaphore_mem>>, %arg9: memref<!tpu.dma_semaphore, #tpu.memory_space<semaphore_mem>>, %arg10: memref<!tpu.dma_semaphore, #tpu.memory_space<semaphore_mem>>, %arg11: memref<!tpu.dma_semaphore, #tpu.memory_space<semaphore_mem>>, %arg12: memref<!tpu.dma_semaphore, #tpu.memory_space<semaphore_mem>>, %arg13: memref<!tpu.dma_semaphore, #tpu.memory_space<semaphore_mem>>, %arg14: memref<!tpu.dma_semaphore, #tpu.memory_space<semaphore_mem>>, %arg15: memref<!tpu.dma_semaphore, #tpu.memory_space<semaphore_mem>>, %arg16: memref<!tpu.dma_semaphore, #tpu.memory_space<semaphore_mem>>) attributes {dimension_semantics = [#tpu.dimension_semantics<core_parallel>, #tpu.dimension_semantics<subcore_parallel>], iteration_bounds = array<i64: 2, 16>, scalar_prefetch = 0 : i64, scratch_operands = 12 : i64, tpu.core_type = #tpu.core_type<sc_vector_subcore>, window_params = [{transform_indices = #map}, {transform_indices = #map1}, {transform_indices = #map2}]} {
    %mul3A = arith.constant 2 : i32
    %mul3A_0 = arith.muli %arg1, %mul3A : i32
    %add3A = arith.addi %mul3A_0, %arg0 : i32
    "tpu.region"() ({
      %run_scoped3A = tpu.sem_alloc : memref<!tpu.dma_semaphore, #tpu.memory_space<semaphore_mem>>
      %dma_start3A_160 = arith.constant 0 : i32
      %dma_start3A_161 = arith.constant 0 : i32
      %dma_start3A_162 = tpu.memref_slice %arg2[%add3A, %dma_start3A_160, %dma_start3A_161] : memref<32x50x128xi32, #tpu.memory_space<hbm>> -> memref<1x50x128xi32, #tpu.memory_space<hbm>>
      %dma_start3A_163 = tpu.memref_squeeze %dma_start3A_162 : memref<1x50x128xi32, #tpu.memory_space<hbm>> -> memref<50x128xi32, #tpu.memory_space<hbm>>
      %dma_start3A_164 = arith.constant 0 : i32
      %dma_start3A_165 = arith.constant 0 : i32
      %dma_start3A_166 = tpu.memref_slice %arg2[%add3A, %dma_start3A_164, %dma_start3A_165] : memref<32x50x128xi32, #tpu.memory_space<hbm>> -> memref<1x50x128xi32, #tpu.memory_space<hbm>>
      %dma_start3A_167 = tpu.memref_squeeze %dma_start3A_166 : memref<1x50x128xi32, #tpu.memory_space<hbm>> -> memref<50x128xi32, #tpu.memory_space<hbm>>
      tpu.enqueue_dma source(%dma_start3A_167 : memref<50x128xi32, #tpu.memory_space<hbm>>) target(%arg5 : memref<50x128xi32, #tpu.memory_space<vmem>>) target_semaphore(%run_scoped3A : memref<!tpu.dma_semaphore, #tpu.memory_space<semaphore_mem>>)
      %dma_wait3A_168 = arith.constant 0 : i32
      %dma_wait3A_169 = arith.constant 0 : i32
      %dma_wait3A_170 = tpu.memref_slice %arg2[%add3A, %dma_wait3A_168, %dma_wait3A_169] : memref<32x50x128xi32, #tpu.memory_space<hbm>> -> memref<1x50x128xi32, #tpu.memory_space<hbm>>
      %dma_wait3A_171 = tpu.memref_squeeze %dma_wait3A_170 : memref<1x50x128xi32, #tpu.memory_space<hbm>> -> memref<50x128xi32, #tpu.memory_space<hbm>>
      %dma_wait3A_172 = arith.constant 0 : i32
      %dma_wait3A_173 = arith.constant 0 : i32
      %dma_wait3A_174 = tpu.memref_slice %arg2[%add3A, %dma_wait3A_172, %dma_wait3A_173] : memref<32x50x128xi32, #tpu.memory_space<hbm>> -> memref<1x50x128xi32, #tpu.memory_space<hbm>>
      %dma_wait3A_175 = tpu.memref_squeeze %dma_wait3A_174 : memref<1x50x128xi32, #tpu.memory_space<hbm>> -> memref<50x128xi32, #tpu.memory_space<hbm>>
      tpu.wait_dma2 semaphore(%run_scoped3A : memref<!tpu.dma_semaphore, #tpu.memory_space<semaphore_mem>>) src(%dma_wait3A_175 : memref<50x128xi32, #tpu.memory_space<hbm>>) dst(%arg5 : memref<50x128xi32, #tpu.memory_space<vmem>>)
      tpu.yield
    }) : () -> ()
    %dma_start3A = arith.constant 0 : i32
    %dma_start3A_1 = arith.constant 0 : i32
    %dma_start3A_2 = arith.constant 0 : i32
    %dma_start3A_3 = arith.constant 0 : i32
    %dma_start3A_4 = tpu.memref_slice %arg6[%dma_start3A_1, %dma_start3A_2, %dma_start3A_3] : memref<5x128x128xf32, #tpu.memory_space<vmem>> -> memref<1x128x128xf32, #tpu.memory_space<vmem>>
    %dma_start3A_5 = tpu.memref_squeeze %dma_start3A_4 : memref<1x128x128xf32, #tpu.memory_space<vmem>> -> memref<128x128xf32, #tpu.memory_space<vmem>>
    %dma_start3A_6 = arith.constant 0 : i32
    %dma_start3A_7 = tpu.memref_slice %arg5[%dma_start3A, %dma_start3A_6] : memref<50x128xi32, #tpu.memory_space<vmem>> -> memref<1x128xi32, #tpu.memory_space<vmem>>
    %dma_start3A_8 = tpu.memref_squeeze %dma_start3A_7 : memref<1x128xi32, #tpu.memory_space<vmem>> -> memref<128xi32, #tpu.memory_space<vmem>>
    %dma_start3A_9 = arith.constant 0 : i32
    %dma_start3A_10 = arith.constant 0 : i32
    %dma_start3A_11 = tpu.memref_slice %arg3[%dma_start3A_9, %dma_start3A_10] : memref<1000000x128xf32, #tpu.memory_space<hbm>> -> memref<1000000x128xf32, #tpu.memory_space<hbm>>
    tpu.enqueue_indirect_dma source(%dma_start3A_11 : memref<1000000x128xf32, #tpu.memory_space<hbm>>) target(%dma_start3A_5 : memref<128x128xf32, #tpu.memory_space<vmem>>) offsets(%dma_start3A_8 : memref<128xi32, #tpu.memory_space<vmem>>) semaphore(%arg7 : memref<!tpu.dma_semaphore, #tpu.memory_space<semaphore_mem>>)
    %dma_start3A_12 = arith.constant 1 : i32
    %dma_start3A_13 = arith.constant 1 : i32
    %dma_start3A_14 = arith.constant 0 : i32
    %dma_start3A_15 = arith.constant 0 : i32
    %dma_start3A_16 = tpu.memref_slice %arg6[%dma_start3A_13, %dma_start3A_14, %dma_start3A_15] : memref<5x128x128xf32, #tpu.memory_space<vmem>> -> memref<1x128x128xf32, #tpu.memory_space<vmem>>
    %dma_start3A_17 = tpu.memref_squeeze %dma_start3A_16 : memref<1x128x128xf32, #tpu.memory_space<vmem>> -> memref<128x128xf32, #tpu.memory_space<vmem>>
    %dma_start3A_18 = arith.constant 0 : i32
    %dma_start3A_19 = tpu.memref_slice %arg5[%dma_start3A_12, %dma_start3A_18] : memref<50x128xi32, #tpu.memory_space<vmem>> -> memref<1x128xi32, #tpu.memory_space<vmem>>
    %dma_start3A_20 = tpu.memref_squeeze %dma_start3A_19 : memref<1x128xi32, #tpu.memory_space<vmem>> -> memref<128xi32, #tpu.memory_space<vmem>>
    %dma_start3A_21 = arith.constant 0 : i32
    %dma_start3A_22 = arith.constant 0 : i32
    %dma_start3A_23 = tpu.memref_slice %arg3[%dma_start3A_21, %dma_start3A_22] : memref<1000000x128xf32, #tpu.memory_space<hbm>> -> memref<1000000x128xf32, #tpu.memory_space<hbm>>
    tpu.enqueue_indirect_dma source(%dma_start3A_23 : memref<1000000x128xf32, #tpu.memory_space<hbm>>) target(%dma_start3A_17 : memref<128x128xf32, #tpu.memory_space<vmem>>) offsets(%dma_start3A_20 : memref<128xi32, #tpu.memory_space<vmem>>) semaphore(%arg8 : memref<!tpu.dma_semaphore, #tpu.memory_space<semaphore_mem>>)
    %dma_start3A_24 = arith.constant 2 : i32
    %dma_start3A_25 = arith.constant 2 : i32
    %dma_start3A_26 = arith.constant 0 : i32
    %dma_start3A_27 = arith.constant 0 : i32
    %dma_start3A_28 = tpu.memref_slice %arg6[%dma_start3A_25, %dma_start3A_26, %dma_start3A_27] : memref<5x128x128xf32, #tpu.memory_space<vmem>> -> memref<1x128x128xf32, #tpu.memory_space<vmem>>
    %dma_start3A_29 = tpu.memref_squeeze %dma_start3A_28 : memref<1x128x128xf32, #tpu.memory_space<vmem>> -> memref<128x128xf32, #tpu.memory_space<vmem>>
    %dma_start3A_30 = arith.constant 0 : i32
    %dma_start3A_31 = tpu.memref_slice %arg5[%dma_start3A_24, %dma_start3A_30] : memref<50x128xi32, #tpu.memory_space<vmem>> -> memref<1x128xi32, #tpu.memory_space<vmem>>
    %dma_start3A_32 = tpu.memref_squeeze %dma_start3A_31 : memref<1x128xi32, #tpu.memory_space<vmem>> -> memref<128xi32, #tpu.memory_space<vmem>>
    %dma_start3A_33 = arith.constant 0 : i32
    %dma_start3A_34 = arith.constant 0 : i32
    %dma_start3A_35 = tpu.memref_slice %arg3[%dma_start3A_33, %dma_start3A_34] : memref<1000000x128xf32, #tpu.memory_space<hbm>> -> memref<1000000x128xf32, #tpu.memory_space<hbm>>
    tpu.enqueue_indirect_dma source(%dma_start3A_35 : memref<1000000x128xf32, #tpu.memory_space<hbm>>) target(%dma_start3A_29 : memref<128x128xf32, #tpu.memory_space<vmem>>) offsets(%dma_start3A_32 : memref<128xi32, #tpu.memory_space<vmem>>) semaphore(%arg9 : memref<!tpu.dma_semaphore, #tpu.memory_space<semaphore_mem>>)
    %scan3A = arith.constant 0 : i32
    %scan3A_36 = arith.constant 0 : i32
    %scan3A_37 = arith.constant 10 : i32
    %scan3A_38 = arith.addi %scan3A_36, %scan3A_37 : i32
    %scan3A_39 = arith.constant 1 : i32
    scf.for %scan3A_160 = %scan3A_36 to %scan3A_38 step %scan3A_39  : i32 {
      %mul3A_161 = arith.constant 5 : i32
      %mul3A_162 = arith.muli %scan3A_160, %mul3A_161 : i32
      %add3A_163 = arith.constant 0 : i32
      %add3A_164 = arith.addi %mul3A_162, %add3A_163 : i32
      %dma_wait3A_165 = arith.constant 0 : i32
      %dma_wait3A_166 = arith.constant 0 : i32
      %dma_wait3A_167 = arith.constant 0 : i32
      %dma_wait3A_168 = tpu.memref_slice %arg6[%dma_wait3A_165, %dma_wait3A_166, %dma_wait3A_167] : memref<5x128x128xf32, #tpu.memory_space<vmem>> -> memref<1x128x128xf32, #tpu.memory_space<vmem>>
      %dma_wait3A_169 = tpu.memref_squeeze %dma_wait3A_168 : memref<1x128x128xf32, #tpu.memory_space<vmem>> -> memref<128x128xf32, #tpu.memory_space<vmem>>
      %dma_wait3A_170 = arith.constant 0 : i32
      %dma_wait3A_171 = tpu.memref_slice %arg5[%add3A_164, %dma_wait3A_170] : memref<50x128xi32, #tpu.memory_space<vmem>> -> memref<1x128xi32, #tpu.memory_space<vmem>>
      %dma_wait3A_172 = tpu.memref_squeeze %dma_wait3A_171 : memref<1x128xi32, #tpu.memory_space<vmem>> -> memref<128xi32, #tpu.memory_space<vmem>>
      %dma_wait3A_173 = arith.constant 0 : i32
      %dma_wait3A_174 = arith.constant 0 : i32
      %dma_wait3A_175 = tpu.memref_slice %arg3[%dma_wait3A_173, %dma_wait3A_174] : memref<1000000x128xf32, #tpu.memory_space<hbm>> -> memref<1000000x128xf32, #tpu.memory_space<hbm>>
      tpu.wait_indirect_dma semaphore(%arg7 : memref<!tpu.dma_semaphore, #tpu.memory_space<semaphore_mem>>) src(%dma_wait3A_175 : memref<1000000x128xf32, #tpu.memory_space<hbm>>) dst(%dma_wait3A_169 : memref<128x128xf32, #tpu.memory_space<vmem>>)
      %dma_start3A_176 = arith.constant 0 : i32
      %dma_start3A_177 = arith.constant 0 : i32
      %dma_start3A_178 = arith.constant 0 : i32
      %dma_start3A_179 = tpu.memref_slice %arg6[%dma_start3A_176, %dma_start3A_177, %dma_start3A_178] : memref<5x128x128xf32, #tpu.memory_space<vmem>> -> memref<1x128x128xf32, #tpu.memory_space<vmem>>
      %dma_start3A_180 = tpu.memref_squeeze %dma_start3A_179 : memref<1x128x128xf32, #tpu.memory_space<vmem>> -> memref<128x128xf32, #tpu.memory_space<vmem>>
      %dma_start3A_181 = arith.constant 0 : i32
      %dma_start3A_182 = arith.constant 0 : i32
      %dma_start3A_183 = tpu.memref_slice %dma_start3A_180[%dma_start3A_181, %dma_start3A_182] : memref<128x128xf32, #tpu.memory_space<vmem>> -> memref<128x64xf32, #tpu.memory_space<vmem>>
      %dma_start3A_184 = arith.constant 0 : i32
      %dma_start3A_185 = arith.constant 0 : i32
      %dma_start3A_186 = tpu.memref_slice %arg4[%add3A, %add3A_164, %dma_start3A_184, %dma_start3A_185] : memref<32x50x128x64xf32, #tpu.memory_space<hbm>> -> memref<1x1x128x64xf32, #tpu.memory_space<hbm>>
      %dma_start3A_187 = tpu.memref_squeeze %dma_start3A_186 : memref<1x1x128x64xf32, #tpu.memory_space<hbm>> -> memref<128x64xf32, #tpu.memory_space<hbm>>
      %dma_start3A_188 = arith.constant 0 : i32
      %dma_start3A_189 = arith.constant 0 : i32
      %dma_start3A_190 = tpu.memref_slice %arg4[%add3A, %add3A_164, %dma_start3A_188, %dma_start3A_189] : memref<32x50x128x64xf32, #tpu.memory_space<hbm>> -> memref<1x1x128x64xf32, #tpu.memory_space<hbm>>
      %dma_start3A_191 = tpu.memref_squeeze %dma_start3A_190 : memref<1x1x128x64xf32, #tpu.memory_space<hbm>> -> memref<128x64xf32, #tpu.memory_space<hbm>>
      %dma_start3A_192 = arith.constant 0 : i32
      %dma_start3A_193 = arith.constant 0 : i32
      %dma_start3A_194 = tpu.memref_slice %arg6[%dma_start3A_176, %dma_start3A_192, %dma_start3A_193] : memref<5x128x128xf32, #tpu.memory_space<vmem>> -> memref<1x128x128xf32, #tpu.memory_space<vmem>>
      %dma_start3A_195 = tpu.memref_squeeze %dma_start3A_194 : memref<1x128x128xf32, #tpu.memory_space<vmem>> -> memref<128x128xf32, #tpu.memory_space<vmem>>
      %dma_start3A_196 = arith.constant 0 : i32
      %dma_start3A_197 = arith.constant 0 : i32
      %dma_start3A_198 = tpu.memref_slice %dma_start3A_195[%dma_start3A_196, %dma_start3A_197] : memref<128x128xf32, #tpu.memory_space<vmem>> -> memref<128x64xf32, #tpu.memory_space<vmem>>
      tpu.enqueue_dma source(%dma_start3A_198 : memref<128x64xf32, #tpu.memory_space<vmem>>) target(%dma_start3A_191 : memref<128x64xf32, #tpu.memory_space<hbm>>) target_semaphore(%arg12 : memref<!tpu.dma_semaphore, #tpu.memory_space<semaphore_mem>>)
      %add3A_199 = arith.constant 3 : i32
      %add3A_200 = arith.addi %add3A_164, %add3A_199 : i32
      %lt3A = arith.constant 50 : i32
      %lt3A_201 = arith.cmpi slt, %add3A_200, %lt3A : i32
      %convert_element_type3A = arith.extui %lt3A_201 : i1 to i32
      %cond3A = arith.constant 0 : i32
      %cond3A_202 = arith.cmpi ne, %convert_element_type3A, %cond3A : i32
      scf.if %cond3A_202 {
        %ge3A = arith.constant 5 : i32
        %ge3A_383 = arith.cmpi sge, %add3A_200, %ge3A : i32
        %convert_element_type3A_384 = arith.extui %ge3A_383 : i1 to i32
        %cond3A_385 = arith.constant 0 : i32
        %cond3A_386 = arith.cmpi ne, %convert_element_type3A_384, %cond3A_385 : i32
        scf.if %cond3A_386 {
          %sub3A = arith.constant 5 : i32
          %sub3A_398 = arith.subi %add3A_200, %sub3A : i32
          %dma_wait3A_399 = arith.constant 3 : i32
          %dma_wait3A_400 = arith.constant 0 : i32
          %dma_wait3A_401 = arith.constant 0 : i32
          %dma_wait3A_402 = tpu.memref_slice %arg6[%dma_wait3A_399, %dma_wait3A_400, %dma_wait3A_401] : memref<5x128x128xf32, #tpu.memory_space<vmem>> -> memref<1x128x128xf32, #tpu.memory_space<vmem>>
          %dma_wait3A_403 = tpu.memref_squeeze %dma_wait3A_402 : memref<1x128x128xf32, #tpu.memory_space<vmem>> -> memref<128x128xf32, #tpu.memory_space<vmem>>
          %dma_wait3A_404 = arith.constant 0 : i32
          %dma_wait3A_405 = arith.constant 0 : i32
          %dma_wait3A_406 = tpu.memref_slice %dma_wait3A_403[%dma_wait3A_404, %dma_wait3A_405] : memref<128x128xf32, #tpu.memory_space<vmem>> -> memref<128x64xf32, #tpu.memory_space<vmem>>
          %dma_wait3A_407 = arith.constant 0 : i32
          %dma_wait3A_408 = arith.constant 0 : i32
          %dma_wait3A_409 = tpu.memref_slice %arg4[%add3A, %sub3A_398, %dma_wait3A_407, %dma_wait3A_408] : memref<32x50x128x64xf32, #tpu.memory_space<hbm>> -> memref<1x1x128x64xf32, #tpu.memory_space<hbm>>
          %dma_wait3A_410 = tpu.memref_squeeze %dma_wait3A_409 : memref<1x1x128x64xf32, #tpu.memory_space<hbm>> -> memref<128x64xf32, #tpu.memory_space<hbm>>
          %dma_wait3A_411 = arith.constant 0 : i32
          %dma_wait3A_412 = arith.constant 0 : i32
          %dma_wait3A_413 = tpu.memref_slice %arg4[%add3A, %sub3A_398, %dma_wait3A_411, %dma_wait3A_412] : memref<32x50x128x64xf32, #tpu.memory_space<hbm>> -> memref<1x1x128x64xf32, #tpu.memory_space<hbm>>
          %dma_wait3A_414 = tpu.memref_squeeze %dma_wait3A_413 : memref<1x1x128x64xf32, #tpu.memory_space<hbm>> -> memref<128x64xf32, #tpu.memory_space<hbm>>
          %dma_wait3A_415 = arith.constant 0 : i32
          %dma_wait3A_416 = arith.constant 0 : i32
          %dma_wait3A_417 = tpu.memref_slice %arg6[%dma_wait3A_399, %dma_wait3A_415, %dma_wait3A_416] : memref<5x128x128xf32, #tpu.memory_space<vmem>> -> memref<1x128x128xf32, #tpu.memory_space<vmem>>
          %dma_wait3A_418 = tpu.memref_squeeze %dma_wait3A_417 : memref<1x128x128xf32, #tpu.memory_space<vmem>> -> memref<128x128xf32, #tpu.memory_space<vmem>>
          %dma_wait3A_419 = arith.constant 0 : i32
          %dma_wait3A_420 = arith.constant 0 : i32
          %dma_wait3A_421 = tpu.memref_slice %dma_wait3A_418[%dma_wait3A_419, %dma_wait3A_420] : memref<128x128xf32, #tpu.memory_space<vmem>> -> memref<128x64xf32, #tpu.memory_space<vmem>>
          tpu.wait_dma2 semaphore(%arg15 : memref<!tpu.dma_semaphore, #tpu.memory_space<semaphore_mem>>) src(%dma_wait3A_421 : memref<128x64xf32, #tpu.memory_space<vmem>>) dst(%dma_wait3A_414 : memref<128x64xf32, #tpu.memory_space<hbm>>)
        } else {
        }
        %dma_start3A_387 = arith.constant 3 : i32
        %dma_start3A_388 = arith.constant 0 : i32
        %dma_start3A_389 = arith.constant 0 : i32
        %dma_start3A_390 = tpu.memref_slice %arg6[%dma_start3A_387, %dma_start3A_388, %dma_start3A_389] : memref<5x128x128xf32, #tpu.memory_space<vmem>> -> memref<1x128x128xf32, #tpu.memory_space<vmem>>
        %dma_start3A_391 = tpu.memref_squeeze %dma_start3A_390 : memref<1x128x128xf32, #tpu.memory_space<vmem>> -> memref<128x128xf32, #tpu.memory_space<vmem>>
        %dma_start3A_392 = arith.constant 0 : i32
        %dma_start3A_393 = tpu.memref_slice %arg5[%add3A_200, %dma_start3A_392] : memref<50x128xi32, #tpu.memory_space<vmem>> -> memref<1x128xi32, #tpu.memory_space<vmem>>
        %dma_start3A_394 = tpu.memref_squeeze %dma_start3A_393 : memref<1x128xi32, #tpu.memory_space<vmem>> -> memref<128xi32, #tpu.memory_space<vmem>>
        %dma_start3A_395 = arith.constant 0 : i32
        %dma_start3A_396 = arith.constant 0 : i32
        %dma_start3A_397 = tpu.memref_slice %arg3[%dma_start3A_395, %dma_start3A_396] : memref<1000000x128xf32, #tpu.memory_space<hbm>> -> memref<1000000x128xf32, #tpu.memory_space<hbm>>
        tpu.enqueue_indirect_dma source(%dma_start3A_397 : memref<1000000x128xf32, #tpu.memory_space<hbm>>) target(%dma_start3A_391 : memref<128x128xf32, #tpu.memory_space<vmem>>) offsets(%dma_start3A_394 : memref<128xi32, #tpu.memory_space<vmem>>) semaphore(%arg10 : memref<!tpu.dma_semaphore, #tpu.memory_space<semaphore_mem>>)
      } else {
      }
      %mul3A_203 = arith.constant 5 : i32
      %mul3A_204 = arith.muli %scan3A_160, %mul3A_203 : i32
      %add3A_205 = arith.constant 1 : i32
      %add3A_206 = arith.addi %mul3A_204, %add3A_205 : i32
      %dma_wait3A_207 = arith.constant 1 : i32
      %dma_wait3A_208 = arith.constant 0 : i32
      %dma_wait3A_209 = arith.constant 0 : i32
      %dma_wait3A_210 = tpu.memref_slice %arg6[%dma_wait3A_207, %dma_wait3A_208, %dma_wait3A_209] : memref<5x128x128xf32, #tpu.memory_space<vmem>> -> memref<1x128x128xf32, #tpu.memory_space<vmem>>
      %dma_wait3A_211 = tpu.memref_squeeze %dma_wait3A_210 : memref<1x128x128xf32, #tpu.memory_space<vmem>> -> memref<128x128xf32, #tpu.memory_space<vmem>>
      %dma_wait3A_212 = arith.constant 0 : i32
      %dma_wait3A_213 = tpu.memref_slice %arg5[%add3A_206, %dma_wait3A_212] : memref<50x128xi32, #tpu.memory_space<vmem>> -> memref<1x128xi32, #tpu.memory_space<vmem>>
      %dma_wait3A_214 = tpu.memref_squeeze %dma_wait3A_213 : memref<1x128xi32, #tpu.memory_space<vmem>> -> memref<128xi32, #tpu.memory_space<vmem>>
      %dma_wait3A_215 = arith.constant 0 : i32
      %dma_wait3A_216 = arith.constant 0 : i32
      %dma_wait3A_217 = tpu.memref_slice %arg3[%dma_wait3A_215, %dma_wait3A_216] : memref<1000000x128xf32, #tpu.memory_space<hbm>> -> memref<1000000x128xf32, #tpu.memory_space<hbm>>
      tpu.wait_indirect_dma semaphore(%arg8 : memref<!tpu.dma_semaphore, #tpu.memory_space<semaphore_mem>>) src(%dma_wait3A_217 : memref<1000000x128xf32, #tpu.memory_space<hbm>>) dst(%dma_wait3A_211 : memref<128x128xf32, #tpu.memory_space<vmem>>)
      %dma_start3A_218 = arith.constant 1 : i32
      %dma_start3A_219 = arith.constant 0 : i32
      %dma_start3A_220 = arith.constant 0 : i32
      %dma_start3A_221 = tpu.memref_slice %arg6[%dma_start3A_218, %dma_start3A_219, %dma_start3A_220] : memref<5x128x128xf32, #tpu.memory_space<vmem>> -> memref<1x128x128xf32, #tpu.memory_space<vmem>>
      %dma_start3A_222 = tpu.memref_squeeze %dma_start3A_221 : memref<1x128x128xf32, #tpu.memory_space<vmem>> -> memref<128x128xf32, #tpu.memory_space<vmem>>
      %dma_start3A_223 = arith.constant 0 : i32
      %dma_start3A_224 = arith.constant 0 : i32
      %dma_start3A_225 = tpu.memref_slice %dma_start3A_222[%dma_start3A_223, %dma_start3A_224] : memref<128x128xf32, #tpu.memory_space<vmem>> -> memref<128x64xf32, #tpu.memory_space<vmem>>
      %dma_start3A_226 = arith.constant 0 : i32
      %dma_start3A_227 = arith.constant 0 : i32
      %dma_start3A_228 = tpu.memref_slice %arg4[%add3A, %add3A_206, %dma_start3A_226, %dma_start3A_227] : memref<32x50x128x64xf32, #tpu.memory_space<hbm>> -> memref<1x1x128x64xf32, #tpu.memory_space<hbm>>
      %dma_start3A_229 = tpu.memref_squeeze %dma_start3A_228 : memref<1x1x128x64xf32, #tpu.memory_space<hbm>> -> memref<128x64xf32, #tpu.memory_space<hbm>>
      %dma_start3A_230 = arith.constant 0 : i32
      %dma_start3A_231 = arith.constant 0 : i32
      %dma_start3A_232 = tpu.memref_slice %arg4[%add3A, %add3A_206, %dma_start3A_230, %dma_start3A_231] : memref<32x50x128x64xf32, #tpu.memory_space<hbm>> -> memref<1x1x128x64xf32, #tpu.memory_space<hbm>>
      %dma_start3A_233 = tpu.memref_squeeze %dma_start3A_232 : memref<1x1x128x64xf32, #tpu.memory_space<hbm>> -> memref<128x64xf32, #tpu.memory_space<hbm>>
      %dma_start3A_234 = arith.constant 0 : i32
      %dma_start3A_235 = arith.constant 0 : i32
      %dma_start3A_236 = tpu.memref_slice %arg6[%dma_start3A_218, %dma_start3A_234, %dma_start3A_235] : memref<5x128x128xf32, #tpu.memory_space<vmem>> -> memref<1x128x128xf32, #tpu.memory_space<vmem>>
      %dma_start3A_237 = tpu.memref_squeeze %dma_start3A_236 : memref<1x128x128xf32, #tpu.memory_space<vmem>> -> memref<128x128xf32, #tpu.memory_space<vmem>>
      %dma_start3A_238 = arith.constant 0 : i32
      %dma_start3A_239 = arith.constant 0 : i32
      %dma_start3A_240 = tpu.memref_slice %dma_start3A_237[%dma_start3A_238, %dma_start3A_239] : memref<128x128xf32, #tpu.memory_space<vmem>> -> memref<128x64xf32, #tpu.memory_space<vmem>>
      tpu.enqueue_dma source(%dma_start3A_240 : memref<128x64xf32, #tpu.memory_space<vmem>>) target(%dma_start3A_233 : memref<128x64xf32, #tpu.memory_space<hbm>>) target_semaphore(%arg13 : memref<!tpu.dma_semaphore, #tpu.memory_space<semaphore_mem>>)
      %add3A_241 = arith.constant 3 : i32
      %add3A_242 = arith.addi %add3A_206, %add3A_241 : i32
      %lt3A_243 = arith.constant 50 : i32
      %lt3A_244 = arith.cmpi slt, %add3A_242, %lt3A_243 : i32
      %convert_element_type3A_245 = arith.extui %lt3A_244 : i1 to i32
      %cond3A_246 = arith.constant 0 : i32
      %cond3A_247 = arith.cmpi ne, %convert_element_type3A_245, %cond3A_246 : i32
      scf.if %cond3A_247 {
        %ge3A = arith.constant 5 : i32
        %ge3A_383 = arith.cmpi sge, %add3A_242, %ge3A : i32
        %convert_element_type3A_384 = arith.extui %ge3A_383 : i1 to i32
        %cond3A_385 = arith.constant 0 : i32
        %cond3A_386 = arith.cmpi ne, %convert_element_type3A_384, %cond3A_385 : i32
        scf.if %cond3A_386 {
          %sub3A = arith.constant 5 : i32
          %sub3A_398 = arith.subi %add3A_242, %sub3A : i32
          %dma_wait3A_399 = arith.constant 4 : i32
          %dma_wait3A_400 = arith.constant 0 : i32
          %dma_wait3A_401 = arith.constant 0 : i32
          %dma_wait3A_402 = tpu.memref_slice %arg6[%dma_wait3A_399, %dma_wait3A_400, %dma_wait3A_401] : memref<5x128x128xf32, #tpu.memory_space<vmem>> -> memref<1x128x128xf32, #tpu.memory_space<vmem>>
          %dma_wait3A_403 = tpu.memref_squeeze %dma_wait3A_402 : memref<1x128x128xf32, #tpu.memory_space<vmem>> -> memref<128x128xf32, #tpu.memory_space<vmem>>
          %dma_wait3A_404 = arith.constant 0 : i32
          %dma_wait3A_405 = arith.constant 0 : i32
          %dma_wait3A_406 = tpu.memref_slice %dma_wait3A_403[%dma_wait3A_404, %dma_wait3A_405] : memref<128x128xf32, #tpu.memory_space<vmem>> -> memref<128x64xf32, #tpu.memory_space<vmem>>
          %dma_wait3A_407 = arith.constant 0 : i32
          %dma_wait3A_408 = arith.constant 0 : i32
          %dma_wait3A_409 = tpu.memref_slice %arg4[%add3A, %sub3A_398, %dma_wait3A_407, %dma_wait3A_408] : memref<32x50x128x64xf32, #tpu.memory_space<hbm>> -> memref<1x1x128x64xf32, #tpu.memory_space<hbm>>
          %dma_wait3A_410 = tpu.memref_squeeze %dma_wait3A_409 : memref<1x1x128x64xf32, #tpu.memory_space<hbm>> -> memref<128x64xf32, #tpu.memory_space<hbm>>
          %dma_wait3A_411 = arith.constant 0 : i32
          %dma_wait3A_412 = arith.constant 0 : i32
          %dma_wait3A_413 = tpu.memref_slice %arg4[%add3A, %sub3A_398, %dma_wait3A_411, %dma_wait3A_412] : memref<32x50x128x64xf32, #tpu.memory_space<hbm>> -> memref<1x1x128x64xf32, #tpu.memory_space<hbm>>
          %dma_wait3A_414 = tpu.memref_squeeze %dma_wait3A_413 : memref<1x1x128x64xf32, #tpu.memory_space<hbm>> -> memref<128x64xf32, #tpu.memory_space<hbm>>
          %dma_wait3A_415 = arith.constant 0 : i32
          %dma_wait3A_416 = arith.constant 0 : i32
          %dma_wait3A_417 = tpu.memref_slice %arg6[%dma_wait3A_399, %dma_wait3A_415, %dma_wait3A_416] : memref<5x128x128xf32, #tpu.memory_space<vmem>> -> memref<1x128x128xf32, #tpu.memory_space<vmem>>
          %dma_wait3A_418 = tpu.memref_squeeze %dma_wait3A_417 : memref<1x128x128xf32, #tpu.memory_space<vmem>> -> memref<128x128xf32, #tpu.memory_space<vmem>>
          %dma_wait3A_419 = arith.constant 0 : i32
          %dma_wait3A_420 = arith.constant 0 : i32
          %dma_wait3A_421 = tpu.memref_slice %dma_wait3A_418[%dma_wait3A_419, %dma_wait3A_420] : memref<128x128xf32, #tpu.memory_space<vmem>> -> memref<128x64xf32, #tpu.memory_space<vmem>>
          tpu.wait_dma2 semaphore(%arg16 : memref<!tpu.dma_semaphore, #tpu.memory_space<semaphore_mem>>) src(%dma_wait3A_421 : memref<128x64xf32, #tpu.memory_space<vmem>>) dst(%dma_wait3A_414 : memref<128x64xf32, #tpu.memory_space<hbm>>)
        } else {
        }
        %dma_start3A_387 = arith.constant 4 : i32
        %dma_start3A_388 = arith.constant 0 : i32
        %dma_start3A_389 = arith.constant 0 : i32
        %dma_start3A_390 = tpu.memref_slice %arg6[%dma_start3A_387, %dma_start3A_388, %dma_start3A_389] : memref<5x128x128xf32, #tpu.memory_space<vmem>> -> memref<1x128x128xf32, #tpu.memory_space<vmem>>
        %dma_start3A_391 = tpu.memref_squeeze %dma_start3A_390 : memref<1x128x128xf32, #tpu.memory_space<vmem>> -> memref<128x128xf32, #tpu.memory_space<vmem>>
        %dma_start3A_392 = arith.constant 0 : i32
        %dma_start3A_393 = tpu.memref_slice %arg5[%add3A_242, %dma_start3A_392] : memref<50x128xi32, #tpu.memory_space<vmem>> -> memref<1x128xi32, #tpu.memory_space<vmem>>
        %dma_start3A_394 = tpu.memref_squeeze %dma_start3A_393 : memref<1x128xi32, #tpu.memory_space<vmem>> -> memref<128xi32, #tpu.memory_space<vmem>>
        %dma_start3A_395 = arith.constant 0 : i32
        %dma_start3A_396 = arith.constant 0 : i32
        %dma_start3A_397 = tpu.memref_slice %arg3[%dma_start3A_395, %dma_start3A_396] : memref<1000000x128xf32, #tpu.memory_space<hbm>> -> memref<1000000x128xf32, #tpu.memory_space<hbm>>
        tpu.enqueue_indirect_dma source(%dma_start3A_397 : memref<1000000x128xf32, #tpu.memory_space<hbm>>) target(%dma_start3A_391 : memref<128x128xf32, #tpu.memory_space<vmem>>) offsets(%dma_start3A_394 : memref<128xi32, #tpu.memory_space<vmem>>) semaphore(%arg11 : memref<!tpu.dma_semaphore, #tpu.memory_space<semaphore_mem>>)
      } else {
      }
      %mul3A_248 = arith.constant 5 : i32
      %mul3A_249 = arith.muli %scan3A_160, %mul3A_248 : i32
      %add3A_250 = arith.constant 2 : i32
      %add3A_251 = arith.addi %mul3A_249, %add3A_250 : i32
      %dma_wait3A_252 = arith.constant 2 : i32
      %dma_wait3A_253 = arith.constant 0 : i32
      %dma_wait3A_254 = arith.constant 0 : i32
      %dma_wait3A_255 = tpu.memref_slice %arg6[%dma_wait3A_252, %dma_wait3A_253, %dma_wait3A_254] : memref<5x128x128xf32, #tpu.memory_space<vmem>> -> memref<1x128x128xf32, #tpu.memory_space<vmem>>
      %dma_wait3A_256 = tpu.memref_squeeze %dma_wait3A_255 : memref<1x128x128xf32, #tpu.memory_space<vmem>> -> memref<128x128xf32, #tpu.memory_space<vmem>>
      %dma_wait3A_257 = arith.constant 0 : i32
      %dma_wait3A_258 = tpu.memref_slice %arg5[%add3A_251, %dma_wait3A_257] : memref<50x128xi32, #tpu.memory_space<vmem>> -> memref<1x128xi32, #tpu.memory_space<vmem>>
      %dma_wait3A_259 = tpu.memref_squeeze %dma_wait3A_258 : memref<1x128xi32, #tpu.memory_space<vmem>> -> memref<128xi32, #tpu.memory_space<vmem>>
      %dma_wait3A_260 = arith.constant 0 : i32
      %dma_wait3A_261 = arith.constant 0 : i32
      %dma_wait3A_262 = tpu.memref_slice %arg3[%dma_wait3A_260, %dma_wait3A_261] : memref<1000000x128xf32, #tpu.memory_space<hbm>> -> memref<1000000x128xf32, #tpu.memory_space<hbm>>
      tpu.wait_indirect_dma semaphore(%arg9 : memref<!tpu.dma_semaphore, #tpu.memory_space<semaphore_mem>>) src(%dma_wait3A_262 : memref<1000000x128xf32, #tpu.memory_space<hbm>>) dst(%dma_wait3A_256 : memref<128x128xf32, #tpu.memory_space<vmem>>)
      %dma_start3A_263 = arith.constant 2 : i32
      %dma_start3A_264 = arith.constant 0 : i32
      %dma_start3A_265 = arith.constant 0 : i32
      %dma_start3A_266 = tpu.memref_slice %arg6[%dma_start3A_263, %dma_start3A_264, %dma_start3A_265] : memref<5x128x128xf32, #tpu.memory_space<vmem>> -> memref<1x128x128xf32, #tpu.memory_space<vmem>>
      %dma_start3A_267 = tpu.memref_squeeze %dma_start3A_266 : memref<1x128x128xf32, #tpu.memory_space<vmem>> -> memref<128x128xf32, #tpu.memory_space<vmem>>
      %dma_start3A_268 = arith.constant 0 : i32
      %dma_start3A_269 = arith.constant 0 : i32
      %dma_start3A_270 = tpu.memref_slice %dma_start3A_267[%dma_start3A_268, %dma_start3A_269] : memref<128x128xf32, #tpu.memory_space<vmem>> -> memref<128x64xf32, #tpu.memory_space<vmem>>
      %dma_start3A_271 = arith.constant 0 : i32
      %dma_start3A_272 = arith.constant 0 : i32
      %dma_start3A_273 = tpu.memref_slice %arg4[%add3A, %add3A_251, %dma_start3A_271, %dma_start3A_272] : memref<32x50x128x64xf32, #tpu.memory_space<hbm>> -> memref<1x1x128x64xf32, #tpu.memory_space<hbm>>
      %dma_start3A_274 = tpu.memref_squeeze %dma_start3A_273 : memref<1x1x128x64xf32, #tpu.memory_space<hbm>> -> memref<128x64xf32, #tpu.memory_space<hbm>>
      %dma_start3A_275 = arith.constant 0 : i32
      %dma_start3A_276 = arith.constant 0 : i32
      %dma_start3A_277 = tpu.memref_slice %arg4[%add3A, %add3A_251, %dma_start3A_275, %dma_start3A_276] : memref<32x50x128x64xf32, #tpu.memory_space<hbm>> -> memref<1x1x128x64xf32, #tpu.memory_space<hbm>>
      %dma_start3A_278 = tpu.memref_squeeze %dma_start3A_277 : memref<1x1x128x64xf32, #tpu.memory_space<hbm>> -> memref<128x64xf32, #tpu.memory_space<hbm>>
      %dma_start3A_279 = arith.constant 0 : i32
      %dma_start3A_280 = arith.constant 0 : i32
      %dma_start3A_281 = tpu.memref_slice %arg6[%dma_start3A_263, %dma_start3A_279, %dma_start3A_280] : memref<5x128x128xf32, #tpu.memory_space<vmem>> -> memref<1x128x128xf32, #tpu.memory_space<vmem>>
      %dma_start3A_282 = tpu.memref_squeeze %dma_start3A_281 : memref<1x128x128xf32, #tpu.memory_space<vmem>> -> memref<128x128xf32, #tpu.memory_space<vmem>>
      %dma_start3A_283 = arith.constant 0 : i32
      %dma_start3A_284 = arith.constant 0 : i32
      %dma_start3A_285 = tpu.memref_slice %dma_start3A_282[%dma_start3A_283, %dma_start3A_284] : memref<128x128xf32, #tpu.memory_space<vmem>> -> memref<128x64xf32, #tpu.memory_space<vmem>>
      tpu.enqueue_dma source(%dma_start3A_285 : memref<128x64xf32, #tpu.memory_space<vmem>>) target(%dma_start3A_278 : memref<128x64xf32, #tpu.memory_space<hbm>>) target_semaphore(%arg14 : memref<!tpu.dma_semaphore, #tpu.memory_space<semaphore_mem>>)
      %add3A_286 = arith.constant 3 : i32
      %add3A_287 = arith.addi %add3A_251, %add3A_286 : i32
      %lt3A_288 = arith.constant 50 : i32
      %lt3A_289 = arith.cmpi slt, %add3A_287, %lt3A_288 : i32
      %convert_element_type3A_290 = arith.extui %lt3A_289 : i1 to i32
      %cond3A_291 = arith.constant 0 : i32
      %cond3A_292 = arith.cmpi ne, %convert_element_type3A_290, %cond3A_291 : i32
      scf.if %cond3A_292 {
        %ge3A = arith.constant 5 : i32
        %ge3A_383 = arith.cmpi sge, %add3A_287, %ge3A : i32
        %convert_element_type3A_384 = arith.extui %ge3A_383 : i1 to i32
        %cond3A_385 = arith.constant 0 : i32
        %cond3A_386 = arith.cmpi ne, %convert_element_type3A_384, %cond3A_385 : i32
        scf.if %cond3A_386 {
          %sub3A = arith.constant 5 : i32
          %sub3A_398 = arith.subi %add3A_287, %sub3A : i32
          %dma_wait3A_399 = arith.constant 0 : i32
          %dma_wait3A_400 = arith.constant 0 : i32
          %dma_wait3A_401 = arith.constant 0 : i32
          %dma_wait3A_402 = tpu.memref_slice %arg6[%dma_wait3A_399, %dma_wait3A_400, %dma_wait3A_401] : memref<5x128x128xf32, #tpu.memory_space<vmem>> -> memref<1x128x128xf32, #tpu.memory_space<vmem>>
          %dma_wait3A_403 = tpu.memref_squeeze %dma_wait3A_402 : memref<1x128x128xf32, #tpu.memory_space<vmem>> -> memref<128x128xf32, #tpu.memory_space<vmem>>
          %dma_wait3A_404 = arith.constant 0 : i32
          %dma_wait3A_405 = arith.constant 0 : i32
          %dma_wait3A_406 = tpu.memref_slice %dma_wait3A_403[%dma_wait3A_404, %dma_wait3A_405] : memref<128x128xf32, #tpu.memory_space<vmem>> -> memref<128x64xf32, #tpu.memory_space<vmem>>
          %dma_wait3A_407 = arith.constant 0 : i32
          %dma_wait3A_408 = arith.constant 0 : i32
          %dma_wait3A_409 = tpu.memref_slice %arg4[%add3A, %sub3A_398, %dma_wait3A_407, %dma_wait3A_408] : memref<32x50x128x64xf32, #tpu.memory_space<hbm>> -> memref<1x1x128x64xf32, #tpu.memory_space<hbm>>
          %dma_wait3A_410 = tpu.memref_squeeze %dma_wait3A_409 : memref<1x1x128x64xf32, #tpu.memory_space<hbm>> -> memref<128x64xf32, #tpu.memory_space<hbm>>
          %dma_wait3A_411 = arith.constant 0 : i32
          %dma_wait3A_412 = arith.constant 0 : i32
          %dma_wait3A_413 = tpu.memref_slice %arg4[%add3A, %sub3A_398, %dma_wait3A_411, %dma_wait3A_412] : memref<32x50x128x64xf32, #tpu.memory_space<hbm>> -> memref<1x1x128x64xf32, #tpu.memory_space<hbm>>
          %dma_wait3A_414 = tpu.memref_squeeze %dma_wait3A_413 : memref<1x1x128x64xf32, #tpu.memory_space<hbm>> -> memref<128x64xf32, #tpu.memory_space<hbm>>
          %dma_wait3A_415 = arith.constant 0 : i32
          %dma_wait3A_416 = arith.constant 0 : i32
          %dma_wait3A_417 = tpu.memref_slice %arg6[%dma_wait3A_399, %dma_wait3A_415, %dma_wait3A_416] : memref<5x128x128xf32, #tpu.memory_space<vmem>> -> memref<1x128x128xf32, #tpu.memory_space<vmem>>
          %dma_wait3A_418 = tpu.memref_squeeze %dma_wait3A_417 : memref<1x128x128xf32, #tpu.memory_space<vmem>> -> memref<128x128xf32, #tpu.memory_space<vmem>>
          %dma_wait3A_419 = arith.constant 0 : i32
          %dma_wait3A_420 = arith.constant 0 : i32
          %dma_wait3A_421 = tpu.memref_slice %dma_wait3A_418[%dma_wait3A_419, %dma_wait3A_420] : memref<128x128xf32, #tpu.memory_space<vmem>> -> memref<128x64xf32, #tpu.memory_space<vmem>>
          tpu.wait_dma2 semaphore(%arg12 : memref<!tpu.dma_semaphore, #tpu.memory_space<semaphore_mem>>) src(%dma_wait3A_421 : memref<128x64xf32, #tpu.memory_space<vmem>>) dst(%dma_wait3A_414 : memref<128x64xf32, #tpu.memory_space<hbm>>)
        } else {
        }
        %dma_start3A_387 = arith.constant 0 : i32
        %dma_start3A_388 = arith.constant 0 : i32
        %dma_start3A_389 = arith.constant 0 : i32
        %dma_start3A_390 = tpu.memref_slice %arg6[%dma_start3A_387, %dma_start3A_388, %dma_start3A_389] : memref<5x128x128xf32, #tpu.memory_space<vmem>> -> memref<1x128x128xf32, #tpu.memory_space<vmem>>
        %dma_start3A_391 = tpu.memref_squeeze %dma_start3A_390 : memref<1x128x128xf32, #tpu.memory_space<vmem>> -> memref<128x128xf32, #tpu.memory_space<vmem>>
        %dma_start3A_392 = arith.constant 0 : i32
        %dma_start3A_393 = tpu.memref_slice %arg5[%add3A_287, %dma_start3A_392] : memref<50x128xi32, #tpu.memory_space<vmem>> -> memref<1x128xi32, #tpu.memory_space<vmem>>
        %dma_start3A_394 = tpu.memref_squeeze %dma_start3A_393 : memref<1x128xi32, #tpu.memory_space<vmem>> -> memref<128xi32, #tpu.memory_space<vmem>>
        %dma_start3A_395 = arith.constant 0 : i32
        %dma_start3A_396 = arith.constant 0 : i32
        %dma_start3A_397 = tpu.memref_slice %arg3[%dma_start3A_395, %dma_start3A_396] : memref<1000000x128xf32, #tpu.memory_space<hbm>> -> memref<1000000x128xf32, #tpu.memory_space<hbm>>
        tpu.enqueue_indirect_dma source(%dma_start3A_397 : memref<1000000x128xf32, #tpu.memory_space<hbm>>) target(%dma_start3A_391 : memref<128x128xf32, #tpu.memory_space<vmem>>) offsets(%dma_start3A_394 : memref<128xi32, #tpu.memory_space<vmem>>) semaphore(%arg7 : memref<!tpu.dma_semaphore, #tpu.memory_space<semaphore_mem>>)
      } else {
      }
      %mul3A_293 = arith.constant 5 : i32
      %mul3A_294 = arith.muli %scan3A_160, %mul3A_293 : i32
      %add3A_295 = arith.constant 3 : i32
      %add3A_296 = arith.addi %mul3A_294, %add3A_295 : i32
      %dma_wait3A_297 = arith.constant 3 : i32
      %dma_wait3A_298 = arith.constant 0 : i32
      %dma_wait3A_299 = arith.constant 0 : i32
      %dma_wait3A_300 = tpu.memref_slice %arg6[%dma_wait3A_297, %dma_wait3A_298, %dma_wait3A_299] : memref<5x128x128xf32, #tpu.memory_space<vmem>> -> memref<1x128x128xf32, #tpu.memory_space<vmem>>
      %dma_wait3A_301 = tpu.memref_squeeze %dma_wait3A_300 : memref<1x128x128xf32, #tpu.memory_space<vmem>> -> memref<128x128xf32, #tpu.memory_space<vmem>>
      %dma_wait3A_302 = arith.constant 0 : i32
      %dma_wait3A_303 = tpu.memref_slice %arg5[%add3A_296, %dma_wait3A_302] : memref<50x128xi32, #tpu.memory_space<vmem>> -> memref<1x128xi32, #tpu.memory_space<vmem>>
      %dma_wait3A_304 = tpu.memref_squeeze %dma_wait3A_303 : memref<1x128xi32, #tpu.memory_space<vmem>> -> memref<128xi32, #tpu.memory_space<vmem>>
      %dma_wait3A_305 = arith.constant 0 : i32
      %dma_wait3A_306 = arith.constant 0 : i32
      %dma_wait3A_307 = tpu.memref_slice %arg3[%dma_wait3A_305, %dma_wait3A_306] : memref<1000000x128xf32, #tpu.memory_space<hbm>> -> memref<1000000x128xf32, #tpu.memory_space<hbm>>
      tpu.wait_indirect_dma semaphore(%arg10 : memref<!tpu.dma_semaphore, #tpu.memory_space<semaphore_mem>>) src(%dma_wait3A_307 : memref<1000000x128xf32, #tpu.memory_space<hbm>>) dst(%dma_wait3A_301 : memref<128x128xf32, #tpu.memory_space<vmem>>)
      %dma_start3A_308 = arith.constant 3 : i32
      %dma_start3A_309 = arith.constant 0 : i32
      %dma_start3A_310 = arith.constant 0 : i32
      %dma_start3A_311 = tpu.memref_slice %arg6[%dma_start3A_308, %dma_start3A_309, %dma_start3A_310] : memref<5x128x128xf32, #tpu.memory_space<vmem>> -> memref<1x128x128xf32, #tpu.memory_space<vmem>>
      %dma_start3A_312 = tpu.memref_squeeze %dma_start3A_311 : memref<1x128x128xf32, #tpu.memory_space<vmem>> -> memref<128x128xf32, #tpu.memory_space<vmem>>
      %dma_start3A_313 = arith.constant 0 : i32
      %dma_start3A_314 = arith.constant 0 : i32
      %dma_start3A_315 = tpu.memref_slice %dma_start3A_312[%dma_start3A_313, %dma_start3A_314] : memref<128x128xf32, #tpu.memory_space<vmem>> -> memref<128x64xf32, #tpu.memory_space<vmem>>
      %dma_start3A_316 = arith.constant 0 : i32
      %dma_start3A_317 = arith.constant 0 : i32
      %dma_start3A_318 = tpu.memref_slice %arg4[%add3A, %add3A_296, %dma_start3A_316, %dma_start3A_317] : memref<32x50x128x64xf32, #tpu.memory_space<hbm>> -> memref<1x1x128x64xf32, #tpu.memory_space<hbm>>
      %dma_start3A_319 = tpu.memref_squeeze %dma_start3A_318 : memref<1x1x128x64xf32, #tpu.memory_space<hbm>> -> memref<128x64xf32, #tpu.memory_space<hbm>>
      %dma_start3A_320 = arith.constant 0 : i32
      %dma_start3A_321 = arith.constant 0 : i32
      %dma_start3A_322 = tpu.memref_slice %arg4[%add3A, %add3A_296, %dma_start3A_320, %dma_start3A_321] : memref<32x50x128x64xf32, #tpu.memory_space<hbm>> -> memref<1x1x128x64xf32, #tpu.memory_space<hbm>>
      %dma_start3A_323 = tpu.memref_squeeze %dma_start3A_322 : memref<1x1x128x64xf32, #tpu.memory_space<hbm>> -> memref<128x64xf32, #tpu.memory_space<hbm>>
      %dma_start3A_324 = arith.constant 0 : i32
      %dma_start3A_325 = arith.constant 0 : i32
      %dma_start3A_326 = tpu.memref_slice %arg6[%dma_start3A_308, %dma_start3A_324, %dma_start3A_325] : memref<5x128x128xf32, #tpu.memory_space<vmem>> -> memref<1x128x128xf32, #tpu.memory_space<vmem>>
      %dma_start3A_327 = tpu.memref_squeeze %dma_start3A_326 : memref<1x128x128xf32, #tpu.memory_space<vmem>> -> memref<128x128xf32, #tpu.memory_space<vmem>>
      %dma_start3A_328 = arith.constant 0 : i32
      %dma_start3A_329 = arith.constant 0 : i32
      %dma_start3A_330 = tpu.memref_slice %dma_start3A_327[%dma_start3A_328, %dma_start3A_329] : memref<128x128xf32, #tpu.memory_space<vmem>> -> memref<128x64xf32, #tpu.memory_space<vmem>>
      tpu.enqueue_dma source(%dma_start3A_330 : memref<128x64xf32, #tpu.memory_space<vmem>>) target(%dma_start3A_323 : memref<128x64xf32, #tpu.memory_space<hbm>>) target_semaphore(%arg15 : memref<!tpu.dma_semaphore, #tpu.memory_space<semaphore_mem>>)
      %add3A_331 = arith.constant 3 : i32
      %add3A_332 = arith.addi %add3A_296, %add3A_331 : i32
      %lt3A_333 = arith.constant 50 : i32
      %lt3A_334 = arith.cmpi slt, %add3A_332, %lt3A_333 : i32
      %convert_element_type3A_335 = arith.extui %lt3A_334 : i1 to i32
      %cond3A_336 = arith.constant 0 : i32
      %cond3A_337 = arith.cmpi ne, %convert_element_type3A_335, %cond3A_336 : i32
      scf.if %cond3A_337 {
        %ge3A = arith.constant 5 : i32
        %ge3A_383 = arith.cmpi sge, %add3A_332, %ge3A : i32
        %convert_element_type3A_384 = arith.extui %ge3A_383 : i1 to i32
        %cond3A_385 = arith.constant 0 : i32
        %cond3A_386 = arith.cmpi ne, %convert_element_type3A_384, %cond3A_385 : i32
        scf.if %cond3A_386 {
          %sub3A = arith.constant 5 : i32
          %sub3A_398 = arith.subi %add3A_332, %sub3A : i32
          %dma_wait3A_399 = arith.constant 1 : i32
          %dma_wait3A_400 = arith.constant 0 : i32
          %dma_wait3A_401 = arith.constant 0 : i32
          %dma_wait3A_402 = tpu.memref_slice %arg6[%dma_wait3A_399, %dma_wait3A_400, %dma_wait3A_401] : memref<5x128x128xf32, #tpu.memory_space<vmem>> -> memref<1x128x128xf32, #tpu.memory_space<vmem>>
          %dma_wait3A_403 = tpu.memref_squeeze %dma_wait3A_402 : memref<1x128x128xf32, #tpu.memory_space<vmem>> -> memref<128x128xf32, #tpu.memory_space<vmem>>
          %dma_wait3A_404 = arith.constant 0 : i32
          %dma_wait3A_405 = arith.constant 0 : i32
          %dma_wait3A_406 = tpu.memref_slice %dma_wait3A_403[%dma_wait3A_404, %dma_wait3A_405] : memref<128x128xf32, #tpu.memory_space<vmem>> -> memref<128x64xf32, #tpu.memory_space<vmem>>
          %dma_wait3A_407 = arith.constant 0 : i32
          %dma_wait3A_408 = arith.constant 0 : i32
          %dma_wait3A_409 = tpu.memref_slice %arg4[%add3A, %sub3A_398, %dma_wait3A_407, %dma_wait3A_408] : memref<32x50x128x64xf32, #tpu.memory_space<hbm>> -> memref<1x1x128x64xf32, #tpu.memory_space<hbm>>
          %dma_wait3A_410 = tpu.memref_squeeze %dma_wait3A_409 : memref<1x1x128x64xf32, #tpu.memory_space<hbm>> -> memref<128x64xf32, #tpu.memory_space<hbm>>
          %dma_wait3A_411 = arith.constant 0 : i32
          %dma_wait3A_412 = arith.constant 0 : i32
          %dma_wait3A_413 = tpu.memref_slice %arg4[%add3A, %sub3A_398, %dma_wait3A_411, %dma_wait3A_412] : memref<32x50x128x64xf32, #tpu.memory_space<hbm>> -> memref<1x1x128x64xf32, #tpu.memory_space<hbm>>
          %dma_wait3A_414 = tpu.memref_squeeze %dma_wait3A_413 : memref<1x1x128x64xf32, #tpu.memory_space<hbm>> -> memref<128x64xf32, #tpu.memory_space<hbm>>
          %dma_wait3A_415 = arith.constant 0 : i32
          %dma_wait3A_416 = arith.constant 0 : i32
          %dma_wait3A_417 = tpu.memref_slice %arg6[%dma_wait3A_399, %dma_wait3A_415, %dma_wait3A_416] : memref<5x128x128xf32, #tpu.memory_space<vmem>> -> memref<1x128x128xf32, #tpu.memory_space<vmem>>
          %dma_wait3A_418 = tpu.memref_squeeze %dma_wait3A_417 : memref<1x128x128xf32, #tpu.memory_space<vmem>> -> memref<128x128xf32, #tpu.memory_space<vmem>>
          %dma_wait3A_419 = arith.constant 0 : i32
          %dma_wait3A_420 = arith.constant 0 : i32
          %dma_wait3A_421 = tpu.memref_slice %dma_wait3A_418[%dma_wait3A_419, %dma_wait3A_420] : memref<128x128xf32, #tpu.memory_space<vmem>> -> memref<128x64xf32, #tpu.memory_space<vmem>>
          tpu.wait_dma2 semaphore(%arg13 : memref<!tpu.dma_semaphore, #tpu.memory_space<semaphore_mem>>) src(%dma_wait3A_421 : memref<128x64xf32, #tpu.memory_space<vmem>>) dst(%dma_wait3A_414 : memref<128x64xf32, #tpu.memory_space<hbm>>)
        } else {
        }
        %dma_start3A_387 = arith.constant 1 : i32
        %dma_start3A_388 = arith.constant 0 : i32
        %dma_start3A_389 = arith.constant 0 : i32
        %dma_start3A_390 = tpu.memref_slice %arg6[%dma_start3A_387, %dma_start3A_388, %dma_start3A_389] : memref<5x128x128xf32, #tpu.memory_space<vmem>> -> memref<1x128x128xf32, #tpu.memory_space<vmem>>
        %dma_start3A_391 = tpu.memref_squeeze %dma_start3A_390 : memref<1x128x128xf32, #tpu.memory_space<vmem>> -> memref<128x128xf32, #tpu.memory_space<vmem>>
        %dma_start3A_392 = arith.constant 0 : i32
        %dma_start3A_393 = tpu.memref_slice %arg5[%add3A_332, %dma_start3A_392] : memref<50x128xi32, #tpu.memory_space<vmem>> -> memref<1x128xi32, #tpu.memory_space<vmem>>
        %dma_start3A_394 = tpu.memref_squeeze %dma_start3A_393 : memref<1x128xi32, #tpu.memory_space<vmem>> -> memref<128xi32, #tpu.memory_space<vmem>>
        %dma_start3A_395 = arith.constant 0 : i32
        %dma_start3A_396 = arith.constant 0 : i32
        %dma_start3A_397 = tpu.memref_slice %arg3[%dma_start3A_395, %dma_start3A_396] : memref<1000000x128xf32, #tpu.memory_space<hbm>> -> memref<1000000x128xf32, #tpu.memory_space<hbm>>
        tpu.enqueue_indirect_dma source(%dma_start3A_397 : memref<1000000x128xf32, #tpu.memory_space<hbm>>) target(%dma_start3A_391 : memref<128x128xf32, #tpu.memory_space<vmem>>) offsets(%dma_start3A_394 : memref<128xi32, #tpu.memory_space<vmem>>) semaphore(%arg8 : memref<!tpu.dma_semaphore, #tpu.memory_space<semaphore_mem>>)
      } else {
      }
      %mul3A_338 = arith.constant 5 : i32
      %mul3A_339 = arith.muli %scan3A_160, %mul3A_338 : i32
      %add3A_340 = arith.constant 4 : i32
      %add3A_341 = arith.addi %mul3A_339, %add3A_340 : i32
      %dma_wait3A_342 = arith.constant 4 : i32
      %dma_wait3A_343 = arith.constant 0 : i32
      %dma_wait3A_344 = arith.constant 0 : i32
      %dma_wait3A_345 = tpu.memref_slice %arg6[%dma_wait3A_342, %dma_wait3A_343, %dma_wait3A_344] : memref<5x128x128xf32, #tpu.memory_space<vmem>> -> memref<1x128x128xf32, #tpu.memory_space<vmem>>
      %dma_wait3A_346 = tpu.memref_squeeze %dma_wait3A_345 : memref<1x128x128xf32, #tpu.memory_space<vmem>> -> memref<128x128xf32, #tpu.memory_space<vmem>>
      %dma_wait3A_347 = arith.constant 0 : i32
      %dma_wait3A_348 = tpu.memref_slice %arg5[%add3A_341, %dma_wait3A_347] : memref<50x128xi32, #tpu.memory_space<vmem>> -> memref<1x128xi32, #tpu.memory_space<vmem>>
      %dma_wait3A_349 = tpu.memref_squeeze %dma_wait3A_348 : memref<1x128xi32, #tpu.memory_space<vmem>> -> memref<128xi32, #tpu.memory_space<vmem>>
      %dma_wait3A_350 = arith.constant 0 : i32
      %dma_wait3A_351 = arith.constant 0 : i32
      %dma_wait3A_352 = tpu.memref_slice %arg3[%dma_wait3A_350, %dma_wait3A_351] : memref<1000000x128xf32, #tpu.memory_space<hbm>> -> memref<1000000x128xf32, #tpu.memory_space<hbm>>
      tpu.wait_indirect_dma semaphore(%arg11 : memref<!tpu.dma_semaphore, #tpu.memory_space<semaphore_mem>>) src(%dma_wait3A_352 : memref<1000000x128xf32, #tpu.memory_space<hbm>>) dst(%dma_wait3A_346 : memref<128x128xf32, #tpu.memory_space<vmem>>)
      %dma_start3A_353 = arith.constant 4 : i32
      %dma_start3A_354 = arith.constant 0 : i32
      %dma_start3A_355 = arith.constant 0 : i32
      %dma_start3A_356 = tpu.memref_slice %arg6[%dma_start3A_353, %dma_start3A_354, %dma_start3A_355] : memref<5x128x128xf32, #tpu.memory_space<vmem>> -> memref<1x128x128xf32, #tpu.memory_space<vmem>>
      %dma_start3A_357 = tpu.memref_squeeze %dma_start3A_356 : memref<1x128x128xf32, #tpu.memory_space<vmem>> -> memref<128x128xf32, #tpu.memory_space<vmem>>
      %dma_start3A_358 = arith.constant 0 : i32
      %dma_start3A_359 = arith.constant 0 : i32
      %dma_start3A_360 = tpu.memref_slice %dma_start3A_357[%dma_start3A_358, %dma_start3A_359] : memref<128x128xf32, #tpu.memory_space<vmem>> -> memref<128x64xf32, #tpu.memory_space<vmem>>
      %dma_start3A_361 = arith.constant 0 : i32
      %dma_start3A_362 = arith.constant 0 : i32
      %dma_start3A_363 = tpu.memref_slice %arg4[%add3A, %add3A_341, %dma_start3A_361, %dma_start3A_362] : memref<32x50x128x64xf32, #tpu.memory_space<hbm>> -> memref<1x1x128x64xf32, #tpu.memory_space<hbm>>
      %dma_start3A_364 = tpu.memref_squeeze %dma_start3A_363 : memref<1x1x128x64xf32, #tpu.memory_space<hbm>> -> memref<128x64xf32, #tpu.memory_space<hbm>>
      %dma_start3A_365 = arith.constant 0 : i32
      %dma_start3A_366 = arith.constant 0 : i32
      %dma_start3A_367 = tpu.memref_slice %arg4[%add3A, %add3A_341, %dma_start3A_365, %dma_start3A_366] : memref<32x50x128x64xf32, #tpu.memory_space<hbm>> -> memref<1x1x128x64xf32, #tpu.memory_space<hbm>>
      %dma_start3A_368 = tpu.memref_squeeze %dma_start3A_367 : memref<1x1x128x64xf32, #tpu.memory_space<hbm>> -> memref<128x64xf32, #tpu.memory_space<hbm>>
      %dma_start3A_369 = arith.constant 0 : i32
      %dma_start3A_370 = arith.constant 0 : i32
      %dma_start3A_371 = tpu.memref_slice %arg6[%dma_start3A_353, %dma_start3A_369, %dma_start3A_370] : memref<5x128x128xf32, #tpu.memory_space<vmem>> -> memref<1x128x128xf32, #tpu.memory_space<vmem>>
      %dma_start3A_372 = tpu.memref_squeeze %dma_start3A_371 : memref<1x128x128xf32, #tpu.memory_space<vmem>> -> memref<128x128xf32, #tpu.memory_space<vmem>>
      %dma_start3A_373 = arith.constant 0 : i32
      %dma_start3A_374 = arith.constant 0 : i32
      %dma_start3A_375 = tpu.memref_slice %dma_start3A_372[%dma_start3A_373, %dma_start3A_374] : memref<128x128xf32, #tpu.memory_space<vmem>> -> memref<128x64xf32, #tpu.memory_space<vmem>>
      tpu.enqueue_dma source(%dma_start3A_375 : memref<128x64xf32, #tpu.memory_space<vmem>>) target(%dma_start3A_368 : memref<128x64xf32, #tpu.memory_space<hbm>>) target_semaphore(%arg16 : memref<!tpu.dma_semaphore, #tpu.memory_space<semaphore_mem>>)
      %add3A_376 = arith.constant 3 : i32
      %add3A_377 = arith.addi %add3A_341, %add3A_376 : i32
      %lt3A_378 = arith.constant 50 : i32
      %lt3A_379 = arith.cmpi slt, %add3A_377, %lt3A_378 : i32
      %convert_element_type3A_380 = arith.extui %lt3A_379 : i1 to i32
      %cond3A_381 = arith.constant 0 : i32
      %cond3A_382 = arith.cmpi ne, %convert_element_type3A_380, %cond3A_381 : i32
      scf.if %cond3A_382 {
        %ge3A = arith.constant 5 : i32
        %ge3A_383 = arith.cmpi sge, %add3A_377, %ge3A : i32
        %convert_element_type3A_384 = arith.extui %ge3A_383 : i1 to i32
        %cond3A_385 = arith.constant 0 : i32
        %cond3A_386 = arith.cmpi ne, %convert_element_type3A_384, %cond3A_385 : i32
        scf.if %cond3A_386 {
          %sub3A = arith.constant 5 : i32
          %sub3A_398 = arith.subi %add3A_377, %sub3A : i32
          %dma_wait3A_399 = arith.constant 2 : i32
          %dma_wait3A_400 = arith.constant 0 : i32
          %dma_wait3A_401 = arith.constant 0 : i32
          %dma_wait3A_402 = tpu.memref_slice %arg6[%dma_wait3A_399, %dma_wait3A_400, %dma_wait3A_401] : memref<5x128x128xf32, #tpu.memory_space<vmem>> -> memref<1x128x128xf32, #tpu.memory_space<vmem>>
          %dma_wait3A_403 = tpu.memref_squeeze %dma_wait3A_402 : memref<1x128x128xf32, #tpu.memory_space<vmem>> -> memref<128x128xf32, #tpu.memory_space<vmem>>
          %dma_wait3A_404 = arith.constant 0 : i32
          %dma_wait3A_405 = arith.constant 0 : i32
          %dma_wait3A_406 = tpu.memref_slice %dma_wait3A_403[%dma_wait3A_404, %dma_wait3A_405] : memref<128x128xf32, #tpu.memory_space<vmem>> -> memref<128x64xf32, #tpu.memory_space<vmem>>
          %dma_wait3A_407 = arith.constant 0 : i32
          %dma_wait3A_408 = arith.constant 0 : i32
          %dma_wait3A_409 = tpu.memref_slice %arg4[%add3A, %sub3A_398, %dma_wait3A_407, %dma_wait3A_408] : memref<32x50x128x64xf32, #tpu.memory_space<hbm>> -> memref<1x1x128x64xf32, #tpu.memory_space<hbm>>
          %dma_wait3A_410 = tpu.memref_squeeze %dma_wait3A_409 : memref<1x1x128x64xf32, #tpu.memory_space<hbm>> -> memref<128x64xf32, #tpu.memory_space<hbm>>
          %dma_wait3A_411 = arith.constant 0 : i32
          %dma_wait3A_412 = arith.constant 0 : i32
          %dma_wait3A_413 = tpu.memref_slice %arg4[%add3A, %sub3A_398, %dma_wait3A_411, %dma_wait3A_412] : memref<32x50x128x64xf32, #tpu.memory_space<hbm>> -> memref<1x1x128x64xf32, #tpu.memory_space<hbm>>
          %dma_wait3A_414 = tpu.memref_squeeze %dma_wait3A_413 : memref<1x1x128x64xf32, #tpu.memory_space<hbm>> -> memref<128x64xf32, #tpu.memory_space<hbm>>
          %dma_wait3A_415 = arith.constant 0 : i32
          %dma_wait3A_416 = arith.constant 0 : i32
          %dma_wait3A_417 = tpu.memref_slice %arg6[%dma_wait3A_399, %dma_wait3A_415, %dma_wait3A_416] : memref<5x128x128xf32, #tpu.memory_space<vmem>> -> memref<1x128x128xf32, #tpu.memory_space<vmem>>
          %dma_wait3A_418 = tpu.memref_squeeze %dma_wait3A_417 : memref<1x128x128xf32, #tpu.memory_space<vmem>> -> memref<128x128xf32, #tpu.memory_space<vmem>>
          %dma_wait3A_419 = arith.constant 0 : i32
          %dma_wait3A_420 = arith.constant 0 : i32
          %dma_wait3A_421 = tpu.memref_slice %dma_wait3A_418[%dma_wait3A_419, %dma_wait3A_420] : memref<128x128xf32, #tpu.memory_space<vmem>> -> memref<128x64xf32, #tpu.memory_space<vmem>>
          tpu.wait_dma2 semaphore(%arg14 : memref<!tpu.dma_semaphore, #tpu.memory_space<semaphore_mem>>) src(%dma_wait3A_421 : memref<128x64xf32, #tpu.memory_space<vmem>>) dst(%dma_wait3A_414 : memref<128x64xf32, #tpu.memory_space<hbm>>)
        } else {
        }
        %dma_start3A_387 = arith.constant 2 : i32
        %dma_start3A_388 = arith.constant 0 : i32
        %dma_start3A_389 = arith.constant 0 : i32
        %dma_start3A_390 = tpu.memref_slice %arg6[%dma_start3A_387, %dma_start3A_388, %dma_start3A_389] : memref<5x128x128xf32, #tpu.memory_space<vmem>> -> memref<1x128x128xf32, #tpu.memory_space<vmem>>
        %dma_start3A_391 = tpu.memref_squeeze %dma_start3A_390 : memref<1x128x128xf32, #tpu.memory_space<vmem>> -> memref<128x128xf32, #tpu.memory_space<vmem>>
        %dma_start3A_392 = arith.constant 0 : i32
        %dma_start3A_393 = tpu.memref_slice %arg5[%add3A_377, %dma_start3A_392] : memref<50x128xi32, #tpu.memory_space<vmem>> -> memref<1x128xi32, #tpu.memory_space<vmem>>
        %dma_start3A_394 = tpu.memref_squeeze %dma_start3A_393 : memref<1x128xi32, #tpu.memory_space<vmem>> -> memref<128xi32, #tpu.memory_space<vmem>>
        %dma_start3A_395 = arith.constant 0 : i32
        %dma_start3A_396 = arith.constant 0 : i32
        %dma_start3A_397 = tpu.memref_slice %arg3[%dma_start3A_395, %dma_start3A_396] : memref<1000000x128xf32, #tpu.memory_space<hbm>> -> memref<1000000x128xf32, #tpu.memory_space<hbm>>
        tpu.enqueue_indirect_dma source(%dma_start3A_397 : memref<1000000x128xf32, #tpu.memory_space<hbm>>) target(%dma_start3A_391 : memref<128x128xf32, #tpu.memory_space<vmem>>) offsets(%dma_start3A_394 : memref<128xi32, #tpu.memory_space<vmem>>) semaphore(%arg9 : memref<!tpu.dma_semaphore, #tpu.memory_space<semaphore_mem>>)
      } else {
      }
    }
    %scan3A_40 = arith.constant 10 : i32
    %dma_wait3A = arith.constant 0 : i32
    %dma_wait3A_41 = arith.constant 45 : i32
    %dma_wait3A_42 = arith.constant 0 : i32
    %dma_wait3A_43 = arith.constant 0 : i32
    %dma_wait3A_44 = tpu.memref_slice %arg6[%dma_wait3A, %dma_wait3A_42, %dma_wait3A_43] : memref<5x128x128xf32, #tpu.memory_space<vmem>> -> memref<1x128x128xf32, #tpu.memory_space<vmem>>
    %dma_wait3A_45 = tpu.memref_squeeze %dma_wait3A_44 : memref<1x128x128xf32, #tpu.memory_space<vmem>> -> memref<128x128xf32, #tpu.memory_space<vmem>>
    %dma_wait3A_46 = arith.constant 0 : i32
    %dma_wait3A_47 = arith.constant 0 : i32
    %dma_wait3A_48 = tpu.memref_slice %dma_wait3A_45[%dma_wait3A_46, %dma_wait3A_47] : memref<128x128xf32, #tpu.memory_space<vmem>> -> memref<128x64xf32, #tpu.memory_space<vmem>>
    %dma_wait3A_49 = arith.constant 0 : i32
    %dma_wait3A_50 = arith.constant 0 : i32
    %dma_wait3A_51 = tpu.memref_slice %arg4[%add3A, %dma_wait3A_41, %dma_wait3A_49, %dma_wait3A_50] : memref<32x50x128x64xf32, #tpu.memory_space<hbm>> -> memref<1x1x128x64xf32, #tpu.memory_space<hbm>>
    %dma_wait3A_52 = tpu.memref_squeeze %dma_wait3A_51 : memref<1x1x128x64xf32, #tpu.memory_space<hbm>> -> memref<128x64xf32, #tpu.memory_space<hbm>>
    %dma_wait3A_53 = arith.constant 0 : i32
    %dma_wait3A_54 = arith.constant 0 : i32
    %dma_wait3A_55 = tpu.memref_slice %arg4[%add3A, %dma_wait3A_41, %dma_wait3A_53, %dma_wait3A_54] : memref<32x50x128x64xf32, #tpu.memory_space<hbm>> -> memref<1x1x128x64xf32, #tpu.memory_space<hbm>>
    %dma_wait3A_56 = tpu.memref_squeeze %dma_wait3A_55 : memref<1x1x128x64xf32, #tpu.memory_space<hbm>> -> memref<128x64xf32, #tpu.memory_space<hbm>>
    %dma_wait3A_57 = arith.constant 0 : i32
    %dma_wait3A_58 = arith.constant 0 : i32
    %dma_wait3A_59 = tpu.memref_slice %arg6[%dma_wait3A, %dma_wait3A_57, %dma_wait3A_58] : memref<5x128x128xf32, #tpu.memory_space<vmem>> -> memref<1x128x128xf32, #tpu.memory_space<vmem>>
    %dma_wait3A_60 = tpu.memref_squeeze %dma_wait3A_59 : memref<1x128x128xf32, #tpu.memory_space<vmem>> -> memref<128x128xf32, #tpu.memory_space<vmem>>
    %dma_wait3A_61 = arith.constant 0 : i32
    %dma_wait3A_62 = arith.constant 0 : i32
    %dma_wait3A_63 = tpu.memref_slice %dma_wait3A_60[%dma_wait3A_61, %dma_wait3A_62] : memref<128x128xf32, #tpu.memory_space<vmem>> -> memref<128x64xf32, #tpu.memory_space<vmem>>
    tpu.wait_dma2 semaphore(%arg12 : memref<!tpu.dma_semaphore, #tpu.memory_space<semaphore_mem>>) src(%dma_wait3A_63 : memref<128x64xf32, #tpu.memory_space<vmem>>) dst(%dma_wait3A_56 : memref<128x64xf32, #tpu.memory_space<hbm>>)
    %dma_wait3A_64 = arith.constant 1 : i32
    %dma_wait3A_65 = arith.constant 46 : i32
    %dma_wait3A_66 = arith.constant 0 : i32
    %dma_wait3A_67 = arith.constant 0 : i32
    %dma_wait3A_68 = tpu.memref_slice %arg6[%dma_wait3A_64, %dma_wait3A_66, %dma_wait3A_67] : memref<5x128x128xf32, #tpu.memory_space<vmem>> -> memref<1x128x128xf32, #tpu.memory_space<vmem>>
    %dma_wait3A_69 = tpu.memref_squeeze %dma_wait3A_68 : memref<1x128x128xf32, #tpu.memory_space<vmem>> -> memref<128x128xf32, #tpu.memory_space<vmem>>
    %dma_wait3A_70 = arith.constant 0 : i32
    %dma_wait3A_71 = arith.constant 0 : i32
    %dma_wait3A_72 = tpu.memref_slice %dma_wait3A_69[%dma_wait3A_70, %dma_wait3A_71] : memref<128x128xf32, #tpu.memory_space<vmem>> -> memref<128x64xf32, #tpu.memory_space<vmem>>
    %dma_wait3A_73 = arith.constant 0 : i32
    %dma_wait3A_74 = arith.constant 0 : i32
    %dma_wait3A_75 = tpu.memref_slice %arg4[%add3A, %dma_wait3A_65, %dma_wait3A_73, %dma_wait3A_74] : memref<32x50x128x64xf32, #tpu.memory_space<hbm>> -> memref<1x1x128x64xf32, #tpu.memory_space<hbm>>
    %dma_wait3A_76 = tpu.memref_squeeze %dma_wait3A_75 : memref<1x1x128x64xf32, #tpu.memory_space<hbm>> -> memref<128x64xf32, #tpu.memory_space<hbm>>
    %dma_wait3A_77 = arith.constant 0 : i32
    %dma_wait3A_78 = arith.constant 0 : i32
    %dma_wait3A_79 = tpu.memref_slice %arg4[%add3A, %dma_wait3A_65, %dma_wait3A_77, %dma_wait3A_78] : memref<32x50x128x64xf32, #tpu.memory_space<hbm>> -> memref<1x1x128x64xf32, #tpu.memory_space<hbm>>
    %dma_wait3A_80 = tpu.memref_squeeze %dma_wait3A_79 : memref<1x1x128x64xf32, #tpu.memory_space<hbm>> -> memref<128x64xf32, #tpu.memory_space<hbm>>
    %dma_wait3A_81 = arith.constant 0 : i32
    %dma_wait3A_82 = arith.constant 0 : i32
    %dma_wait3A_83 = tpu.memref_slice %arg6[%dma_wait3A_64, %dma_wait3A_81, %dma_wait3A_82] : memref<5x128x128xf32, #tpu.memory_space<vmem>> -> memref<1x128x128xf32, #tpu.memory_space<vmem>>
    %dma_wait3A_84 = tpu.memref_squeeze %dma_wait3A_83 : memref<1x128x128xf32, #tpu.memory_space<vmem>> -> memref<128x128xf32, #tpu.memory_space<vmem>>
    %dma_wait3A_85 = arith.constant 0 : i32
    %dma_wait3A_86 = arith.constant 0 : i32
    %dma_wait3A_87 = tpu.memref_slice %dma_wait3A_84[%dma_wait3A_85, %dma_wait3A_86] : memref<128x128xf32, #tpu.memory_space<vmem>> -> memref<128x64xf32, #tpu.memory_space<vmem>>
    tpu.wait_dma2 semaphore(%arg13 : memref<!tpu.dma_semaphore, #tpu.memory_space<semaphore_mem>>) src(%dma_wait3A_87 : memref<128x64xf32, #tpu.memory_space<vmem>>) dst(%dma_wait3A_80 : memref<128x64xf32, #tpu.memory_space<hbm>>)
    %dma_wait3A_88 = arith.constant 2 : i32
    %dma_wait3A_89 = arith.constant 47 : i32
    %dma_wait3A_90 = arith.constant 0 : i32
    %dma_wait3A_91 = arith.constant 0 : i32
    %dma_wait3A_92 = tpu.memref_slice %arg6[%dma_wait3A_88, %dma_wait3A_90, %dma_wait3A_91] : memref<5x128x128xf32, #tpu.memory_space<vmem>> -> memref<1x128x128xf32, #tpu.memory_space<vmem>>
    %dma_wait3A_93 = tpu.memref_squeeze %dma_wait3A_92 : memref<1x128x128xf32, #tpu.memory_space<vmem>> -> memref<128x128xf32, #tpu.memory_space<vmem>>
    %dma_wait3A_94 = arith.constant 0 : i32
    %dma_wait3A_95 = arith.constant 0 : i32
    %dma_wait3A_96 = tpu.memref_slice %dma_wait3A_93[%dma_wait3A_94, %dma_wait3A_95] : memref<128x128xf32, #tpu.memory_space<vmem>> -> memref<128x64xf32, #tpu.memory_space<vmem>>
    %dma_wait3A_97 = arith.constant 0 : i32
    %dma_wait3A_98 = arith.constant 0 : i32
    %dma_wait3A_99 = tpu.memref_slice %arg4[%add3A, %dma_wait3A_89, %dma_wait3A_97, %dma_wait3A_98] : memref<32x50x128x64xf32, #tpu.memory_space<hbm>> -> memref<1x1x128x64xf32, #tpu.memory_space<hbm>>
    %dma_wait3A_100 = tpu.memref_squeeze %dma_wait3A_99 : memref<1x1x128x64xf32, #tpu.memory_space<hbm>> -> memref<128x64xf32, #tpu.memory_space<hbm>>
    %dma_wait3A_101 = arith.constant 0 : i32
    %dma_wait3A_102 = arith.constant 0 : i32
    %dma_wait3A_103 = tpu.memref_slice %arg4[%add3A, %dma_wait3A_89, %dma_wait3A_101, %dma_wait3A_102] : memref<32x50x128x64xf32, #tpu.memory_space<hbm>> -> memref<1x1x128x64xf32, #tpu.memory_space<hbm>>
    %dma_wait3A_104 = tpu.memref_squeeze %dma_wait3A_103 : memref<1x1x128x64xf32, #tpu.memory_space<hbm>> -> memref<128x64xf32, #tpu.memory_space<hbm>>
    %dma_wait3A_105 = arith.constant 0 : i32
    %dma_wait3A_106 = arith.constant 0 : i32
    %dma_wait3A_107 = tpu.memref_slice %arg6[%dma_wait3A_88, %dma_wait3A_105, %dma_wait3A_106] : memref<5x128x128xf32, #tpu.memory_space<vmem>> -> memref<1x128x128xf32, #tpu.memory_space<vmem>>
    %dma_wait3A_108 = tpu.memref_squeeze %dma_wait3A_107 : memref<1x128x128xf32, #tpu.memory_space<vmem>> -> memref<128x128xf32, #tpu.memory_space<vmem>>
    %dma_wait3A_109 = arith.constant 0 : i32
    %dma_wait3A_110 = arith.constant 0 : i32
    %dma_wait3A_111 = tpu.memref_slice %dma_wait3A_108[%dma_wait3A_109, %dma_wait3A_110] : memref<128x128xf32, #tpu.memory_space<vmem>> -> memref<128x64xf32, #tpu.memory_space<vmem>>
    tpu.wait_dma2 semaphore(%arg14 : memref<!tpu.dma_semaphore, #tpu.memory_space<semaphore_mem>>) src(%dma_wait3A_111 : memref<128x64xf32, #tpu.memory_space<vmem>>) dst(%dma_wait3A_104 : memref<128x64xf32, #tpu.memory_space<hbm>>)
    %dma_wait3A_112 = arith.constant 3 : i32
    %dma_wait3A_113 = arith.constant 48 : i32
    %dma_wait3A_114 = arith.constant 0 : i32
    %dma_wait3A_115 = arith.constant 0 : i32
    %dma_wait3A_116 = tpu.memref_slice %arg6[%dma_wait3A_112, %dma_wait3A_114, %dma_wait3A_115] : memref<5x128x128xf32, #tpu.memory_space<vmem>> -> memref<1x128x128xf32, #tpu.memory_space<vmem>>
    %dma_wait3A_117 = tpu.memref_squeeze %dma_wait3A_116 : memref<1x128x128xf32, #tpu.memory_space<vmem>> -> memref<128x128xf32, #tpu.memory_space<vmem>>
    %dma_wait3A_118 = arith.constant 0 : i32
    %dma_wait3A_119 = arith.constant 0 : i32
    %dma_wait3A_120 = tpu.memref_slice %dma_wait3A_117[%dma_wait3A_118, %dma_wait3A_119] : memref<128x128xf32, #tpu.memory_space<vmem>> -> memref<128x64xf32, #tpu.memory_space<vmem>>
    %dma_wait3A_121 = arith.constant 0 : i32
    %dma_wait3A_122 = arith.constant 0 : i32
    %dma_wait3A_123 = tpu.memref_slice %arg4[%add3A, %dma_wait3A_113, %dma_wait3A_121, %dma_wait3A_122] : memref<32x50x128x64xf32, #tpu.memory_space<hbm>> -> memref<1x1x128x64xf32, #tpu.memory_space<hbm>>
    %dma_wait3A_124 = tpu.memref_squeeze %dma_wait3A_123 : memref<1x1x128x64xf32, #tpu.memory_space<hbm>> -> memref<128x64xf32, #tpu.memory_space<hbm>>
    %dma_wait3A_125 = arith.constant 0 : i32
    %dma_wait3A_126 = arith.constant 0 : i32
    %dma_wait3A_127 = tpu.memref_slice %arg4[%add3A, %dma_wait3A_113, %dma_wait3A_125, %dma_wait3A_126] : memref<32x50x128x64xf32, #tpu.memory_space<hbm>> -> memref<1x1x128x64xf32, #tpu.memory_space<hbm>>
    %dma_wait3A_128 = tpu.memref_squeeze %dma_wait3A_127 : memref<1x1x128x64xf32, #tpu.memory_space<hbm>> -> memref<128x64xf32, #tpu.memory_space<hbm>>
    %dma_wait3A_129 = arith.constant 0 : i32
    %dma_wait3A_130 = arith.constant 0 : i32
    %dma_wait3A_131 = tpu.memref_slice %arg6[%dma_wait3A_112, %dma_wait3A_129, %dma_wait3A_130] : memref<5x128x128xf32, #tpu.memory_space<vmem>> -> memref<1x128x128xf32, #tpu.memory_space<vmem>>
    %dma_wait3A_132 = tpu.memref_squeeze %dma_wait3A_131 : memref<1x128x128xf32, #tpu.memory_space<vmem>> -> memref<128x128xf32, #tpu.memory_space<vmem>>
    %dma_wait3A_133 = arith.constant 0 : i32
    %dma_wait3A_134 = arith.constant 0 : i32
    %dma_wait3A_135 = tpu.memref_slice %dma_wait3A_132[%dma_wait3A_133, %dma_wait3A_134] : memref<128x128xf32, #tpu.memory_space<vmem>> -> memref<128x64xf32, #tpu.memory_space<vmem>>
    tpu.wait_dma2 semaphore(%arg15 : memref<!tpu.dma_semaphore, #tpu.memory_space<semaphore_mem>>) src(%dma_wait3A_135 : memref<128x64xf32, #tpu.memory_space<vmem>>) dst(%dma_wait3A_128 : memref<128x64xf32, #tpu.memory_space<hbm>>)
    %dma_wait3A_136 = arith.constant 4 : i32
    %dma_wait3A_137 = arith.constant 49 : i32
    %dma_wait3A_138 = arith.constant 0 : i32
    %dma_wait3A_139 = arith.constant 0 : i32
    %dma_wait3A_140 = tpu.memref_slice %arg6[%dma_wait3A_136, %dma_wait3A_138, %dma_wait3A_139] : memref<5x128x128xf32, #tpu.memory_space<vmem>> -> memref<1x128x128xf32, #tpu.memory_space<vmem>>
    %dma_wait3A_141 = tpu.memref_squeeze %dma_wait3A_140 : memref<1x128x128xf32, #tpu.memory_space<vmem>> -> memref<128x128xf32, #tpu.memory_space<vmem>>
    %dma_wait3A_142 = arith.constant 0 : i32
    %dma_wait3A_143 = arith.constant 0 : i32
    %dma_wait3A_144 = tpu.memref_slice %dma_wait3A_141[%dma_wait3A_142, %dma_wait3A_143] : memref<128x128xf32, #tpu.memory_space<vmem>> -> memref<128x64xf32, #tpu.memory_space<vmem>>
    %dma_wait3A_145 = arith.constant 0 : i32
    %dma_wait3A_146 = arith.constant 0 : i32
    %dma_wait3A_147 = tpu.memref_slice %arg4[%add3A, %dma_wait3A_137, %dma_wait3A_145, %dma_wait3A_146] : memref<32x50x128x64xf32, #tpu.memory_space<hbm>> -> memref<1x1x128x64xf32, #tpu.memory_space<hbm>>
    %dma_wait3A_148 = tpu.memref_squeeze %dma_wait3A_147 : memref<1x1x128x64xf32, #tpu.memory_space<hbm>> -> memref<128x64xf32, #tpu.memory_space<hbm>>
    %dma_wait3A_149 = arith.constant 0 : i32
    %dma_wait3A_150 = arith.constant 0 : i32
    %dma_wait3A_151 = tpu.memref_slice %arg4[%add3A, %dma_wait3A_137, %dma_wait3A_149, %dma_wait3A_150] : memref<32x50x128x64xf32, #tpu.memory_space<hbm>> -> memref<1x1x128x64xf32, #tpu.memory_space<hbm>>
    %dma_wait3A_152 = tpu.memref_squeeze %dma_wait3A_151 : memref<1x1x128x64xf32, #tpu.memory_space<hbm>> -> memref<128x64xf32, #tpu.memory_space<hbm>>
    %dma_wait3A_153 = arith.constant 0 : i32
    %dma_wait3A_154 = arith.constant 0 : i32
    %dma_wait3A_155 = tpu.memref_slice %arg6[%dma_wait3A_136, %dma_wait3A_153, %dma_wait3A_154] : memref<5x128x128xf32, #tpu.memory_space<vmem>> -> memref<1x128x128xf32, #tpu.memory_space<vmem>>
    %dma_wait3A_156 = tpu.memref_squeeze %dma_wait3A_155 : memref<1x128x128xf32, #tpu.memory_space<vmem>> -> memref<128x128xf32, #tpu.memory_space<vmem>>
    %dma_wait3A_157 = arith.constant 0 : i32
    %dma_wait3A_158 = arith.constant 0 : i32
    %dma_wait3A_159 = tpu.memref_slice %dma_wait3A_156[%dma_wait3A_157, %dma_wait3A_158] : memref<128x128xf32, #tpu.memory_space<vmem>> -> memref<128x64xf32, #tpu.memory_space<vmem>>
    tpu.wait_dma2 semaphore(%arg16 : memref<!tpu.dma_semaphore, #tpu.memory_space<semaphore_mem>>) src(%dma_wait3A_159 : memref<128x64xf32, #tpu.memory_space<vmem>>) dst(%dma_wait3A_152 : memref<128x64xf32, #tpu.memory_space<hbm>>)
    return
  }
}

</mosaic_0001>

<sc_bundles>
// kernel: kernel.3.cloned.1.call-start
scs
__scs_entry_jumppad:
0x0: {  	(pc) =	sbr.rel $0x88, $3  }
0x1: {  	(tag) =	ssettag $0x0;
	lr =	simm.s32 $0x1  }
0x2: {  	[smem:$0x3F9F] =	sst lr;
	_ =	strace $0xD0000000  }
0x3: {  	_ = 	snop  }
0x4: {  	_ = 	snop  }
0x5: {  	_ = 	snop  }
0x6: {  	_ = 	snop  }
0x7: {  	_ = 	snop  }
__scs_overlays_trampoline_lowered:
0x8: {  	[smem:$0x3FAE] =	sst s0  }
0x9: {  	[smem:$0x3FAF] =	sst s1  }
0xa: {  	[smem:$0x3FB0] =	sst s2  }
0xb: {  	[smem:$0x3FB1] =	sst s3  }
0xc: {  	[smem:$0x3FB2] =	sst s4  }
0xd: {  	[smem:$0x3FB3] =	sst s5  }
0xe: {  	[smem:$0x3FB4] =	sst s6  }
0xf: {  	[smem:$0x3FB5] =	sst s7  }
0x10: {  	[smem:$0x3FB6] =	sst s8  }
0x11: {  	[smem:$0x3FB7] =	sst s9;
	s0 =	simm.s32 @!p0 $0x0  }
0x12: {  	s1 =	sld [smem:$0x3F9D];
	s0 =	simm.s32 @p0 $0x1  }
0x13: {  	[smem:$0x3FB8] =	sst s0;
	s0 =	simm.s32 @!p1 $0x0  }
0x14: {  	s2 =	sld [smem:$0x3F9C];
	s0 =	simm.s32 @p1 $0x1  }
0x15: {  	[smem:$0x3FB9] =	sst s0;
	s0 =	simm.s32 @!p2 $0x0  }
0x16: {  	s3 =	sld [smem:$0x3FDB];
	s0 =	simm.s32 @p2 $0x1  }
0x17: {  	s4 =	simm.s32 $0x1BF5;
	[smem:$0x3FBB] =	sst s0  }
0x18: {  	s0 =	sld [smem:$0x3F9E];
	_ =	swait.ge [sflag:s4], $0x0  }
0x19: {  	s7 =	sld [smem:$0x3F9F]  }
0x1a: {  	s8 =	sadd.s32 $0xFFFFE003, lr  }
0x1b: {  	s9 =	sadd.s32 $0xFFFFFEF7, lr;
	s5 =	simm.s32 $0xFFFFFFFF;
	p2 =	slt.u32 s8, $0xFFFFF086  }
0x1c: {  	p1 =	slt.u32 s9, $0xF7A;
	s5 =	simm.s32 @!p2 $0x0  }
0x1d: {  	s5 =	simm.s32 @p1 $0x1;
	p0 =	seq.s32 s7, s2  }
0x1e: {  	s7 =	smul.u32 @!p0 $0xF7A, s2;
	p2 =	seq.s32 @!p0 s5, $0x0  }
0x1f: {  	s9 =	smul.u32 $0xF7A, s1;
	s8 =	simm.s32 @!p0 $0x1BF5;
	p2 =	por !p2, p0  }
0x20: {  	[sflag:s8] =	ssyncset.s32 @!p0 $0xFFFFF086;
	s6 =	sadd.s32 @!p0 s3, s7;
	s7 =	simm.s32 @!p0 $0x108  }
0x21: {  	s3 =	sadd.s32 s3, s9;
	s6 =	sadd.s32 @!p0 $0x88, s6;
	s7 =	simm.s32 @p2 $0x1082  }
0x22: {  	[simem:s7], [sflag:s8] =	dma.local @!p0 [hbm:s6], $0xF7A  }
0x23: {  	s9 =	sor.u32 $0xD0000000, s2;
	s6 =	simm.s32 $0x108;
	_ =	swait.ge @!p0 [sflag:s8], $0x0  }
0x24: {  	s3 =	sadd.s32 $0x88, s3;
	s6 =	simm.s32 @!p1 $0x1082;
	[sflag:s4] =	ssyncset.s32 $0xFFFFF086  }
0x25: {  	[simem:s6], [sflag:s4] =	dma.local [hbm:s3], $0xF7A  }
0x26: {  	[smem:$0x3F9F] =	sst s1;
	(tag) =	ssettag s2;
	_ =	strace s9  }
0x27: {  	s1 =	sld [smem:$0x3FAF]  }
0x28: {  	s2 =	sld [smem:$0x3FB0]  }
0x29: {  	s4 =	sld [smem:$0x3FB2]  }
0x2a: {  	p0 =	seq.s32 s5, $0x0;
	s5 =	sld [smem:$0x3FB3]  }
0x2b: {  	s6 =	sld [smem:$0x3FB4]  }
0x2c: {  	s7 =	sld [smem:$0x3FB5]  }
0x2d: {  	s3 =	simm.s32 $0x108;
	s8 =	sld [smem:$0x3FB6]  }
0x2e: {  	s3 =	simm.s32 @!p0 $0x1082;
	s9 =	sld [smem:$0x3FB7]  }
0x2f: {  	lr =	sadd.s32 s0, s3;
	s0 =	sld [smem:$0x3FAE]  }
0x30: {  	s3 =	sld [smem:$0x3FB1]  }
0x31: {  	[smem:$0x3FBA] =	sst s10  }
0x32: {  	s10 =	sld [smem:$0x3FB8];
	_ =	sdelay $0x3  }
0x33: {  	p0 =	seq.s32 s10, $0x1;
	s10 =	sld [smem:$0x3FBA];
	_ =	sdelay $0x3  }
0x34: {  	[smem:$0x3FBA] =	sst s10  }
0x35: {  	s10 =	sld [smem:$0x3FB9];
	_ =	sdelay $0x3  }
0x36: {  	p1 =	seq.s32 s10, $0x1;
	s10 =	sld [smem:$0x3FBA];
	_ =	sdelay $0x3  }
0x37: {  	[smem:$0x3FBA] =	sst s10  }
0x38: {  	s10 =	sld [smem:$0x3FBB]  }
0x39: {  	_ = 	snop;
	(pc) =	sbr.ind lr, $3  }
0x3a: {  	_ = 	snop  }
0x3b: {  	_ = 	snop  }
0x3c: {  	p2 =	seq.s32 s10, $0x1;
	s10 =	sld [smem:$0x3FBA]  }
0x3d: {  	_ =	shalt  }
0x3e: {  	_ =	shalt  }
0x3f: {  	_ =	shalt  }
0x40: {  	_ =	shalt  }
0x41: {  	_ =	shalt  }
0x42: {  	_ =	shalt  }
0x43: {  	_ =	shalt  }
0x44: {  	_ =	shalt  }
0x45: {  	_ =	shalt  }
0x46: {  	_ =	shalt  }
0x47: {  	_ =	shalt  }
0x48: {  	_ =	shalt  }
0x49: {  	_ =	shalt  }
0x4a: {  	_ =	shalt  }
0x4b: {  	_ =	shalt  }
0x4c: {  	_ =	shalt  }
0x4d: {  	_ =	shalt  }
0x4e: {  	_ =	shalt  }
0x4f: {  	_ =	shalt  }
0x50: {  	_ =	shalt  }
0x51: {  	_ =	shalt  }
0x52: {  	_ =	shalt  }
0x53: {  	_ =	shalt  }
0x54: {  	_ =	shalt  }
0x55: {  	_ =	shalt  }
0x56: {  	_ =	shalt  }
0x57: {  	_ =	shalt  }
0x58: {  	_ =	shalt  }
0x59: {  	_ =	shalt  }
0x5a: {  	_ =	shalt  }
0x5b: {  	_ =	shalt  }
0x5c: {  	_ =	shalt  }
0x5d: {  	_ =	shalt  }
0x5e: {  	_ =	shalt  }
0x5f: {  	_ =	shalt  }
0x60: {  	_ =	shalt  }
0x61: {  	_ =	shalt  }
0x62: {  	_ =	shalt  }
0x63: {  	_ =	shalt  }
0x64: {  	_ =	shalt  }
0x65: {  	_ =	shalt  }
0x66: {  	_ =	shalt  }
0x67: {  	_ =	shalt  }
0x68: {  	_ =	shalt  }
0x69: {  	_ =	shalt  }
0x6a: {  	_ =	shalt  }
0x6b: {  	_ =	shalt  }
0x6c: {  	_ =	shalt  }
0x6d: {  	_ =	shalt  }
0x6e: {  	_ =	shalt  }
0x6f: {  	_ =	shalt  }
0x70: {  	_ =	shalt  }
0x71: {  	_ =	shalt  }
0x72: {  	_ =	shalt  }
0x73: {  	_ =	shalt  }
0x74: {  	_ =	shalt  }
0x75: {  	_ =	shalt  }
0x76: {  	_ =	shalt  }
0x77: {  	_ =	shalt  }
0x78: {  	_ =	shalt  }
0x79: {  	_ =	shalt  }
0x7a: {  	_ =	shalt  }
0x7b: {  	_ =	shalt  }
0x7c: {  	_ =	shalt  }
0x7d: {  	_ =	shalt  }
0x7e: {  	_ =	shalt  }
0x7f: {  	_ =	shalt  }
0x80: {  	_ =	shalt  }
0x81: {  	_ =	shalt  }
0x82: {  	_ =	shalt  }
0x83: {  	_ =	shalt  }
0x84: {  	_ =	shalt  }
0x85: {  	_ =	shalt  }
0x86: {  	_ =	shalt  }
0x87: {  	_ =	shalt  }
.Lfunc_end0:
.L_simem_size_0:
called_computation.1_lowered:
.L_overlay_start_0:
0x88: {  	s2 =	sld [smem:$0x3FD9]  }
0x89: {  	s3 =	sld [smem:$0x3FFE];
	_ =	sdelay $0x1  }
0x8a: {  	s1 =	srdreg.scid  }
0x8b: {  	s0 =	sand.u32 $0x1, s1  }
0x8c: {  	s17 =	sshll.u32 s0, $0xA;
	s2 =	sadd.s32 s3, s2  }
0x8d: {  	s2 =	sadd.s32 s2, s17  }
0x8e: {  	[smem:$0x3FC6] =	sst s2  }
0x8f: {  	_ = 	snop  }
0x90: {  	s2 =	sld [smem:$0x3FD0];
	(tm) =	ssettm $0x1  }
0x91: {  	s18 =	sld [smem:$0x3FFB];
	_ =	sdelay $0x3  }
0x92: {  	_ =	strace s18  }
0x93: {  	s3 =	sld [smem:$0x3FFC];
	_ =	sdelay $0x3  }
0x94: {  	_ =	strace s3  }
0x95: {  	s3 =	sld [smem:$0x3FFD];
	_ =	sdelay $0x3  }
0x96: {  	_ =	strace s3  }
0x97: {  	_ =	strace $0x8FFFFFFF  }
0x98: {  	s19 =	sld [smem:$0x3FDB];
	_ =	sdelay $0x1  }
0x99: {  	s4 =	simm.s32 $_scs_section_size  }
0x9a: {  	s5 =	simm.s32 $_size__tile_overlayer_lowered;
	s6 =	simm.s32 $_tile_overlayer_lowered  }
0x9b: {  	s22 =	simm.s32 $0x1BFF;
	s21 =	sshll.u32 s6, $0x1;
	s3 =	sadd.s32 s4, s19  }
0x9c: {  	s7 =	simm.s32 $0x0;
	s20 =	sshll.u32 s5, $0x1;
	s5 =	sadd.s32 s21, s3  }
0x9d: {  	[timem:s7], [sflag:s22] =	dma.local [hbm:s5], s20  }
0x9e: {  	_ =	swait.ge [sflag:s22], s20  }
0x9f: {  	s4 =	ssub.s32 $0x0, s20;
	[sflag:s22] =	ssyncset.done $0x0  }
0xa0: {  	[sflag:s22] =	ssyncadd.s32 s4;
	_ =	sdelay $0x1  }
0xa1: {  	s23 =	simm.s32 $0x1B8B  }
0xa2: {  	_ =	swait.ge [sflag:s23], $0x1  }
0xa3: {  	[sflag:s23] =	ssyncset.done $0x0  }
0xa4: {  	s25 =	simm.s32 $0x1B8E;
	s24 =	sld [smem:$0x3FFE];
	[sflag:s23] =	ssyncadd.s32 $0xFFFFFFFF  }
0xa5: {  	s26 =	simm.s32 $execute0_lowered;
	[smem:$0x3FD2] =	sst s25  }
0xa6: {  	s5 =	sshll.u32 s26, $0x1;
	_ =	strace $0x80000046;
	[dreg:$0x1] =	wrdreg $0xFFFFFFFF  }
0xa7: {  	s28 =	simm.s32 $_size_execute0_lowered;
	s3 =	sadd.s32 s3, s5;
	[dreg:$0x0] =	wrdreg $0x0  }
0xa8: {  	s5 =	sshll.u32 s28, $0x1;
	[dreg:$0x2] =	wrdreg s3  }
0xa9: {  	[dreg:$0x3] =	wrdreg s5  }
0xaa: {  	[dreg:$0x4] =	wrdreg $0xC0  }
0xab: {  	_ =	task [dreg:s7], $0x5FFFF  }
0xac: {  	[dreg:$0x1] =	wrdreg $0xFFFFFFFF  }
0xad: {  	[dreg:$0x0] =	wrdreg $0x60  }
0xae: {  	[dreg:$0x2] =	wrdreg s24  }
0xaf: {  	[dreg:$0x3] =	wrdreg s2  }
0xb0: {  	[dreg:$0x4] =	wrdreg $0x9  }
0xb1: {  	_ =	task.clear_ibuf [dreg:s7], $0x5FFFF;
	_ =	strace $0x90000046  }
0xb2: {  	s29 =	simm.s32 $0x9;
	_ =	strace $0x80000048  }
0xb3: {  	_ =	swait.ge [sflag:s29], $0x1  }
0xb4: {  	[sflag:s29] =	ssyncadd.s32 $0xFFFFFFFF  }
0xb5: {  	_ =	strace $0x90000048  }
0xb6: {  	_ =	sfence  }
0xb7: {  	s30 =	sld [smem:$0x0];
	_ =	sdelay $0x2  }
0xb8: {  	s31 =	sshll.u32 s1, $0xD;
	s1 =	sshrl.u32 s1, $0x2  }
0xb9: {  	s3 =	sand.u32 $0x4000, s31;
	s1 =	sadd.s32 s1, s30  }
0xba: {  	s0 =	sor.u32 s3, s0;
	s1 =	sshll.u32 s1, $0x11  }
0xbb: {  	s0 =	sor.u32 s1, s0  }
0xbc: {  	s0 =	sadd.s32 $0x8F2B, s0  }
0xbd: {  	[sflag:s0] =	ssyncadd.remote.s32 $0x1  }
0xbe: {  	_ =	sfence.sel $0xFFFF  }
0xbf: {  	[dreg:$0x0] =	wrdreg $0xFFFFFFFF;
	(pc) =	sbr.abs _section_cstart, $3  }
0xc0: {  	[dreg:$0x1] =	wrdreg $0xFFFFFFFF  }
0xc1: {  	_ =	task.clear_ibuf [dreg:s7], $0x2FFFF;
	_ =	strace $0x9FFFFFFF  }
0xc2: {  	(tm) =	ssettm $0x7FFFFFFF  }
0xc3: {  	_ =	shalt  }
tec
execute0_lowered:
.L_overlay_start_1:
0x0: {  	(tag) =	ssettag $0x1  }
0x1: {  	s0 =	rddreg [dreg:$0x0];
	s1 =	srdreg.scid  }
0x2: {  	s3 =	stileid.u32;
	s2 =	rddreg [dreg:$0x1]  }
0x3: {  	s10 =	simm.s32 $0xB;
	s11 =	simm.s32 $0x80;
	s15 =	simm.s32 $0x9900  }
0x4: {  	s16 =	simm.s32 $0x1;
	s17 =	simm.s32 $0xD900;
	s18 =	simm.s32 $0x2  }
0x5: {  	s19 =	simm.s32 $0x11900;
	s20 =	simm.s32 $0x3;
	s21 =	simm.s32 $0x4  }
0x6: {  	s22 =	simm.s32 $0x5;
	s23 =	simm.s32 $0x6;
	s24 =	simm.s32 $0x7  }
0x7: {  	s25 =	simm.s32 $0x8;
	s1 =	sand.u32 $0x1, s1;
	s4 =	sshll.u32 s3, $0x1  }
0x8: {  	s26 =	simm.s32 $0x9;
	s28 =	simm.s32 $0xA;
	s4 =	sor.u32 s1, s4  }
0x9: {  	s29 =	simm.s32 $0x0;
	s3 =	simm.s32 $0x0;
	s5 =	smul.u32 $0x320, s4  }
.Ltmp0:
0xa: {  	[smem:$0x7FF] =	sst s3;
	s1 =	ssub.s32 $0x2, s1;
	(pc) =	sbr.rel .LBB2_1-.Ltmp0, $4  }
0xb: {  	s4 =	smul.u32 $0x64000, s4;
	s30 =	sshrl.u32 s1, $0x1;
	s6 =	sadd.s32 s5, s0  }
0xc: {  	s5 =	sadd.s32 $0xF49200, s0;
	s0 =	ssub.s32 s1, s30;
	s31 =	sadd.s32 $0xF42E00, s6  }
0xd: {  	_ =	strace $0x80000047;
	s0 =	smax.u32 s0, $0x1;
	[dreg:$0x3] =	wrdreg s31  }
0xe: {  	s7 =	sor.u32 $0x2000, s4;
	s8 =	sadd.s32 $0x4000, s4;
	[dreg:$0x4] =	wrdreg s0  }
.LBB2_14:
0xf: {  	_ =	swait.ge [sflag:s23], $0x2000  }
0x10: {  	[sflag:s23] =	ssyncset.done $0x0  }
0x11: {  	[sflag:s23] =	ssyncadd.s32 $0xFFFFE000  }
0x12: {  	_ =	swait.ge [sflag:s24], $0x2000  }
0x13: {  	[sflag:s24] =	ssyncset.done $0x0  }
0x14: {  	[sflag:s24] =	ssyncadd.s32 $0xFFFFE000  }
0x15: {  	_ =	swait.ge [sflag:s25], $0x2000  }
0x16: {  	[sflag:s25] =	ssyncset.done $0x0  }
0x17: {  	[sflag:s25] =	ssyncadd.s32 $0xFFFFE000  }
0x18: {  	_ =	swait.ge [sflag:s26], $0x2000  }
0x19: {  	[sflag:s26] =	ssyncset.done $0x0  }
0x1a: {  	[sflag:s26] =	ssyncadd.s32 $0xFFFFE000  }
0x1b: {  	_ =	swait.ge [sflag:s28], $0x2000  }
0x1c: {  	s29 =	sadd.s32 $0x1, s29;
	s0 =	rddreg [dreg:$0x4]  }
0x1d: {  	p0 =	sne.s32 s29, s0  }
.Ltmp1:
0x1e: {  	_ = 	snop;
	(pc) =	sbr.rel @!p0 .LBB2_15-.Ltmp1, $3  }
0x1f: {  	_ =	sdelay $0x1  }
0x20: {  	[sflag:s28] =	ssyncset.done $0x0  }
0x21: {  	[sflag:s28] =	ssyncadd.s32 $0xFFFFE000  }
.LBB2_1:
0x22: {  	s0 =	rddreg [dreg:$0x3]  }
0x23: {  	[tilespmem:s3], [sflag:$0xB] =	stream.linear.gather [hbm4b:s0+s3], $0x1900, $0x38;
	[tilespmem:$0x15900] =	vst v63  }
0x24: {  	_ =	swait.ge [sflag:s10], $0x1900  }
0x25: {  	[sflag:s10] =	ssyncset.done $0x0  }
0x26: {  	s13 =	simm.s32 $0x1900;
	[sflag:s10] =	ssyncadd.s32 $0xFFFFE700  }
0x27: {  	[tilespmem:s13], [sflag:$0x1] =	stream.indirect.gather [hbm4b:s5+s11], $0x80, s3, s11, $0xb8;
	[tilespmem:$0x15900] =	vst v63  }
0x28: {  	s14 =	simm.s32 $0x5900  }
0x29: {  	[tilespmem:s14], [sflag:$0x2] =	stream.indirect.gather [hbm4b:s5+s11], $0x80, s11, s11, $0xb8;
	[tilespmem:$0x15900] =	vst v63  }
0x2a: {  	s31 =	simm.s32 $0x100;
	s30 =	simm.s32 $0x0  }
0x2b: {  	[tilespmem:s15], [sflag:$0x3] =	stream.indirect.gather [hbm4b:s5+s11], $0x80, s31, s11, $0xb8;
	[tilespmem:$0x15900] =	vst v63  }
.LBB2_2:
0x2c: {  	s0 =	smul.u32 $0xA000, s30;
	_ =	sdelay $0x1  }
0x2d: {  	s1 =	sadd.s32 s4, s0  }
0x2e: {  	_ =	swait.ge [sflag:s16], $0x4000;
	s12 =	simm.s32 $0x1900;
	s1 =	sshrl.u32 s1, $0x3  }
0x2f: {  	s13 =	simm.s32 $0x8;
	[sflag:s16] =	ssyncset.done $0x0;
	s1 =	sadd.s32 s2, s1  }
0x30: {  	s14 =	simm.s32 $0x1980;
	[sflag:s16] =	ssyncadd.s32 $0xFFFFC000;
	s6 =	sadd.s32 $0x0, s1  }
.LBB2_3:
0x31: {  	[hbm4b:s6+s3] =	stream.linear.scatter [tilespmem:s12], [sflag:$0x6], $0x40, $0x38;
	[tilespmem:$0x15900] =	vst v63  }
0x32: {  	s6 =	smov.u32 s13;
	s12 =	smov.u32 s14;
	p0 =	sne.s32 s13, $0x3F8  }
.Ltmp2:
0x33: {  	s13 =	sadd.s32 $0x8, s13;
	(pc) =	sbr.rel @p0 .LBB2_3-.Ltmp2, $2  }
0x34: {  	_ =	sdelay $0x2  }
0x35: {  	s14 =	sadd.s32 $0x80, s14;
	s6 =	sadd.s32 s6, s1  }
0x36: {  	[hbm4b:s6+s3] =	stream.linear.scatter [tilespmem:s12], [sflag:$0x6], $0x40, $0x38;
	[tilespmem:$0x15900] =	vst v63  }
0x37: {  	s31 =	smul.u32 $0x5, s30;
	p0 =	seq.s32 s30, $0x0  }
0x38: {  	s6 =	simm.s32 @!p0 $0x9  }
0x39: {  	s1 =	sadd.s32 $0x3, s31;
	_ =	swait.ge @!p0 [sflag:s6], $0x2000  }
0x3a: {  	[sflag:s6] =	ssyncset.done @!p0 $0x0;
	s9 =	sshll.u32 s1, $0x7  }
0x3b: {  	s14 =	sadd.s32 s7, s0;
	[sflag:s6] =	ssyncadd.s32 @!p0 $0xFFFFE000;
	s13 =	sand.u32 $0x3FFFFF80, s9  }
0x3c: {  	[tilespmem:s17], [sflag:$0x4] =	stream.indirect.gather [hbm4b:s5+s11], $0x80, s13, s11, $0xb8;
	[tilespmem:$0x15900] =	vst v63  }
0x3d: {  	s6 =	sshrl.u32 s14, $0x3;
	s14 =	simm.s32 $0x8;
	_ =	swait.ge [sflag:s18], $0x4000  }
0x3e: {  	s12 =	sadd.s32 s2, s6;
	s13 =	simm.s32 $0x5900;
	[sflag:s18] =	ssyncset.done $0x0  }
0x3f: {  	s6 =	simm.s32 $0x5980;
	s9 =	sadd.s32 $0x0, s12;
	[sflag:s18] =	ssyncadd.s32 $0xFFFFC000  }
.LBB2_5:
0x40: {  	[hbm4b:s9+s3] =	stream.linear.scatter [tilespmem:s13], [sflag:$0x7], $0x40, $0x38;
	[tilespmem:$0x15900] =	vst v63  }
0x41: {  	s9 =	smov.u32 s14;
	s13 =	smov.u32 s6;
	p1 =	sne.s32 s14, $0x3F8  }
.Ltmp3:
0x42: {  	s14 =	sadd.s32 $0x8, s14;
	(pc) =	sbr.rel @p1 .LBB2_5-.Ltmp3, $2  }
0x43: {  	_ =	sdelay $0x2  }
0x44: {  	s6 =	sadd.s32 $0x80, s6;
	s9 =	sadd.s32 s9, s12  }
0x45: {  	[hbm4b:s9+s3] =	stream.linear.scatter [tilespmem:s13], [sflag:$0x7], $0x40, $0x38;
	[tilespmem:$0x15900] =	vst v63  }
0x46: {  	s6 =	simm.s32 @!p0 $0xA  }
0x47: {  	s31 =	sadd.s32 $0x4, s31;
	_ =	swait.ge @!p0 [sflag:s6], $0x2000  }
0x48: {  	s13 =	sshll.u32 s31, $0x7;
	[sflag:s6] =	ssyncset.done @!p0 $0x0  }
0x49: {  	s0 =	sadd.s32 s8, s0;
	s14 =	sand.u32 $0x3FFFFF80, s13;
	[sflag:s6] =	ssyncadd.s32 @!p0 $0xFFFFE000  }
0x4a: {  	[tilespmem:s19], [sflag:$0x5] =	stream.indirect.gather [hbm4b:s5+s11], $0x80, s14, s11, $0xb8;
	[tilespmem:$0x15900] =	vst v63  }
0x4b: {  	s12 =	simm.s32 $0x9900;
	s0 =	sshrl.u32 s0, $0x3;
	_ =	swait.ge [sflag:s20], $0x4000  }
0x4c: {  	s0 =	sadd.s32 s2, s0;
	s13 =	simm.s32 $0x8;
	[sflag:s20] =	ssyncset.done $0x0  }
0x4d: {  	s9 =	sadd.s32 $0x0, s0;
	s6 =	simm.s32 $0x9980;
	[sflag:s20] =	ssyncadd.s32 $0xFFFFC000  }
.LBB2_7:
0x4e: {  	[hbm4b:s9+s3] =	stream.linear.scatter [tilespmem:s12], [sflag:$0x8], $0x40, $0x38;
	[tilespmem:$0x15900] =	vst v63  }
0x4f: {  	s9 =	smov.u32 s13;
	s12 =	smov.u32 s6;
	p0 =	sne.s32 s13, $0x3F8  }
.Ltmp4:
0x50: {  	s13 =	sadd.s32 $0x8, s13;
	(pc) =	sbr.rel @p0 .LBB2_7-.Ltmp4, $2  }
0x51: {  	_ =	sdelay $0x2  }
0x52: {  	s6 =	sadd.s32 $0x80, s6;
	s9 =	sadd.s32 s9, s0  }
0x53: {  	[hbm4b:s9+s3] =	stream.linear.scatter [tilespmem:s12], [sflag:$0x8], $0x40, $0x38;
	[tilespmem:$0x15900] =	vst v63  }
0x54: {  	p0 =	seq.s32 s30, $0x9  }
0x55: {  	s0 =	simm.s32 @!p0 $0x6  }
0x56: {  	s6 =	smul.u32 @!p0 $0xA00, s30;
	_ =	swait.ge @!p0 [sflag:s0], $0x2000  }
0x57: {  	s1 =	sshll.u32 s1, $0xD;
	[sflag:s0] =	ssyncset.done @!p0 $0x0  }
0x58: {  	s9 =	simm.s32 @!p0 $0x80;
	[sflag:s0] =	ssyncadd.s32 @!p0 $0xFFFFE000;
	s0 =	sshra.s32 @!p0 s6, $0x2  }
0x59: {  	s12 =	simm.s32 @!p0 $0x1900;
	s1 =	sadd.s32 s4, s1;
	s6 =	sadd.s32 @!p0 $0x280, s0  }
0x5a: {  	[tilespmem:s12], [sflag:$0x1] =	stream.indirect.gather @!p0 [hbm4b:s5+s9], $0x80, s6, s9, $0xb8;
	[tilespmem:$0x15900] =	vst v63  }
0x5b: {  	s13 =	simm.s32 $0x8;
	s1 =	sshrl.u32 s1, $0x3;
	_ =	swait.ge [sflag:s21], $0x4000  }
0x5c: {  	s1 =	sadd.s32 s2, s1;
	s12 =	simm.s32 $0xD900;
	[sflag:s21] =	ssyncset.done $0x0  }
0x5d: {  	s9 =	sadd.s32 $0x0, s1;
	s6 =	simm.s32 $0xD980;
	[sflag:s21] =	ssyncadd.s32 $0xFFFFC000  }
.LBB2_9:
0x5e: {  	[hbm4b:s9+s3] =	stream.linear.scatter [tilespmem:s12], [sflag:$0x9], $0x40, $0x38;
	[tilespmem:$0x15900] =	vst v63  }
0x5f: {  	s9 =	smov.u32 s13;
	s12 =	smov.u32 s6;
	p1 =	sne.s32 s13, $0x3F8  }
.Ltmp5:
0x60: {  	s13 =	sadd.s32 $0x8, s13;
	(pc) =	sbr.rel @p1 .LBB2_9-.Ltmp5, $2  }
0x61: {  	_ =	sdelay $0x2  }
0x62: {  	s6 =	sadd.s32 $0x80, s6;
	s9 =	sadd.s32 s9, s1  }
0x63: {  	[hbm4b:s9+s3] =	stream.linear.scatter [tilespmem:s12], [sflag:$0x9], $0x40, $0x38;
	[tilespmem:$0x15900] =	vst v63  }
0x64: {  	s1 =	simm.s32 @!p0 $0x7  }
0x65: {  	_ =	swait.ge @!p0 [sflag:s1], $0x2000  }
0x66: {  	s0 =	sadd.s32 @!p0 $0x300, s0;
	s6 =	simm.s32 @!p0 $0x5900;
	[sflag:s1] =	ssyncset.done @!p0 $0x0  }
0x67: {  	s31 =	sshll.u32 s31, $0xD;
	[sflag:s1] =	ssyncadd.s32 @!p0 $0xFFFFE000;
	s1 =	simm.s32 @!p0 $0x80  }
0x68: {  	[tilespmem:s6], [sflag:$0x2] =	stream.indirect.gather @!p0 [hbm4b:s5+s1], $0x80, s0, s1, $0xb8;
	[tilespmem:$0x15900] =	vst v63  }
0x69: {  	s0 =	sadd.s32 s4, s31  }
0x6a: {  	s12 =	simm.s32 $0x8;
	_ =	swait.ge [sflag:s22], $0x4000;
	s0 =	sshrl.u32 s0, $0x3  }
0x6b: {  	s1 =	simm.s32 $0x11900;
	[sflag:s22] =	ssyncset.done $0x0;
	s0 =	sadd.s32 s2, s0  }
0x6c: {  	s6 =	simm.s32 $0x11980;
	[sflag:s22] =	ssyncadd.s32 $0xFFFFC000;
	s9 =	sadd.s32 $0x0, s0  }
.LBB2_11:
0x6d: {  	[hbm4b:s9+s3] =	stream.linear.scatter [tilespmem:s1], [sflag:$0xA], $0x40, $0x38;
	[tilespmem:$0x15900] =	vst v63  }
0x6e: {  	s9 =	smov.u32 s12;
	s1 =	smov.u32 s6;
	p1 =	sne.s32 s12, $0x3F8  }
.Ltmp6:
0x6f: {  	s12 =	sadd.s32 $0x8, s12;
	(pc) =	sbr.rel @p1 .LBB2_11-.Ltmp6, $2  }
0x70: {  	_ =	sdelay $0x2  }
0x71: {  	s6 =	sadd.s32 $0x80, s6;
	s9 =	sadd.s32 s9, s0  }
.Ltmp7:
0x72: {  	(pc) =	sbr.rel @p0 .LBB2_14-.Ltmp7, $2  }
0x73: {  	_ =	sdelay $0x2  }
0x74: {  	[hbm4b:s9+s3] =	stream.linear.scatter [tilespmem:s1], [sflag:$0xA], $0x40, $0x38;
	[tilespmem:$0x15900] =	vst v63  }
0x75: {  	s0 =	smul.u32 $0xA00, s30  }
.Ltmp8:
0x76: {  	_ = 	snop;
	(pc) =	sbr.rel .LBB2_2-.Ltmp8, $4  }
0x77: {  	_ =	swait.ge [sflag:s25], $0x2000  }
0x78: {  	[sflag:s25] =	ssyncset.done $0x0;
	s0 =	sshra.s32 s0, $0x2  }
0x79: {  	s30 =	sadd.s32 $0x1, s30;
	[sflag:s25] =	ssyncadd.s32 $0xFFFFE000;
	s0 =	sadd.s32 $0x380, s0  }
0x7a: {  	[tilespmem:s15], [sflag:$0x3] =	stream.indirect.gather [hbm4b:s5+s11], $0x80, s0, s11, $0xb8;
	[tilespmem:$0x15900] =	vst v63  }
.LBB2_15:
0x7b: {  	_ =	sfence.sel $0x180000  }
0x7c: {  	[bflag:$0x0] =	sbarrier.arrive $0xFFFF  }
0x7d: {  	_ =	strace $0x90000047  }
0x7e: {  	s0 =	stileid.u32;
	[bflag:$0x2] =	sbarrier.arrive $0xFFFF  }
0x7f: {  	p0 =	sne.s32 s0, $0x0;
	s0 =	rddreg [dreg:$0x2]  }
0x80: {  	s0 =	sadd.s32 @!p0 $0x100000, s0  }
0x81: {  	[sflag:s0] =	ssyncadd.tile.s32 @!p0 $0x1;
	_ =	shalt  }
.Lfunc_end2:
_tile_overlayer_lowered:
.L_overlay_start_2:
0x82: {  	(tag) =	ssettag $0x2  }
0x83: {  	s0 =	rddreg [dreg:$0x0];
	s2 =	stileid.u32  }
0x84: {  	s1 =	rddreg [dreg:$0x1];
	p0 =	sne.s32 s2, $0x0  }
0x85: {  	s3 =	rddreg [dreg:$0x2];
	[bflag:$0x3] =	sbarrier.arrive $0xFFFF;
	s2 =	simm.s32 @!p0 $0x1C0B  }
0x86: {  	[timem:s3], [sflag:s2] =	dma.local @!p0 [hbm:s0], s1  }
0x87: {  	s0 =	simm.s32 @!p0 $0xB  }
0x88: {  	_ =	swait.ge @!p0 [sflag:s0], s1  }
0x89: {  	s1 =	ssub.s32 @!p0 $0x0, s1;
	[sflag:s0] =	ssyncset.done @!p0 $0x0  }
0x8a: {  	[sflag:s0] =	ssyncadd.s32 @!p0 s1  }
0x8b: {  	[bflag:$0x3] =	sbarrier.arrive $0xFFFF  }
0x8c: {  	_ =	shalt  }

// kernel: sparse-core-data-format-call.cloned.1.call-start
scs
called_computation_lowered:
.L_overlay_start_0:
0x0: {  	s2 =	sld [smem:$0x3FD9]  }
0x1: {  	s3 =	sld [smem:$0x3FFE];
	_ =	sdelay $0x1  }
0x2: {  	s1 =	srdreg.scid  }
0x3: {  	s0 =	sand.u32 $0x1, s1  }
0x4: {  	s18 =	sshll.u32 s0, $0xA;
	s2 =	sadd.s32 s3, s2  }
0x5: {  	s2 =	sadd.s32 s2, s18  }
0x6: {  	[smem:$0x3FC6] =	sst s2  }
0x7: {  	_ = 	snop  }
0x8: {  	s2 =	sld [smem:$0x3FD0];
	(tm) =	ssettm $0x1  }
0x9: {  	s19 =	sld [smem:$0x3FFB];
	_ =	sdelay $0x3  }
0xa: {  	_ =	strace s19  }
0xb: {  	s3 =	sld [smem:$0x3FFC];
	_ =	sdelay $0x3  }
0xc: {  	_ =	strace s3  }
0xd: {  	s3 =	sld [smem:$0x3FFD];
	_ =	sdelay $0x3  }
0xe: {  	_ =	strace s3  }
0xf: {  	_ =	strace $0x8FFFFFFF  }
0x10: {  	s20 =	sld [smem:$0x3FDB];
	_ =	sdelay $0x1  }
0x11: {  	s4 =	simm.s32 $_scs_section_size  }
0x12: {  	s5 =	simm.s32 $_size__tile_overlayer_lowered;
	s6 =	simm.s32 $_tile_overlayer_lowered  }
0x13: {  	s23 =	simm.s32 $0x1BFF;
	s22 =	sshll.u32 s6, $0x1;
	s3 =	sadd.s32 s4, s20  }
0x14: {  	s7 =	simm.s32 $0x0;
	s21 =	sshll.u32 s5, $0x1;
	s5 =	sadd.s32 s22, s3  }
0x15: {  	[timem:s7], [sflag:s23] =	dma.local [hbm:s5], s21  }
0x16: {  	_ =	swait.ge [sflag:s23], s21  }
0x17: {  	s4 =	ssub.s32 $0x0, s21;
	[sflag:s23] =	ssyncset.done $0x0  }
0x18: {  	[sflag:s23] =	ssyncadd.s32 s4;
	_ =	sdelay $0x1  }
0x19: {  	s24 =	simm.s32 $0x1B8B  }
0x1a: {  	_ =	swait.ge [sflag:s24], $0x1  }
0x1b: {  	[sflag:s24] =	ssyncset.done $0x0  }
0x1c: {  	s26 =	simm.s32 $0x1B8E;
	s25 =	sld [smem:$0x3FFE];
	[sflag:s24] =	ssyncadd.s32 $0xFFFFFFFF  }
0x1d: {  	s27 =	simm.s32 $execute0_lowered;
	[smem:$0x3FD2] =	sst s26  }
0x1e: {  	s5 =	sshll.u32 s27, $0x1;
	_ =	strace $0x80000049;
	[dreg:$0x1] =	wrdreg $0xFFFFFFFF  }
0x1f: {  	s28 =	simm.s32 $_size_execute0_lowered;
	s3 =	sadd.s32 s3, s5;
	[dreg:$0x0] =	wrdreg $0x0  }
0x20: {  	s5 =	sshll.u32 s28, $0x1;
	[dreg:$0x2] =	wrdreg s3  }
0x21: {  	[dreg:$0x3] =	wrdreg s5  }
0x22: {  	[dreg:$0x4] =	wrdreg $0xC0  }
0x23: {  	_ =	task [dreg:s7], $0x5FFFF  }
0x24: {  	[dreg:$0x1] =	wrdreg $0xFFFFFFFF  }
0x25: {  	[dreg:$0x0] =	wrdreg $0x60  }
0x26: {  	[dreg:$0x2] =	wrdreg s25  }
0x27: {  	[dreg:$0x3] =	wrdreg s2  }
0x28: {  	[dreg:$0x4] =	wrdreg $0x9  }
0x29: {  	_ =	task.clear_ibuf [dreg:s7], $0x5FFFF;
	_ =	strace $0x90000049  }
0x2a: {  	s29 =	simm.s32 $0x9;
	_ =	strace $0x8000004B  }
0x2b: {  	_ =	swait.ge [sflag:s29], $0x1  }
0x2c: {  	[sflag:s29] =	ssyncadd.s32 $0xFFFFFFFF  }
0x2d: {  	_ =	strace $0x9000004B  }
0x2e: {  	_ =	sfence  }
0x2f: {  	s30 =	sld [smem:$0x0];
	_ =	sdelay $0x2  }
0x30: {  	s31 =	sshll.u32 s1, $0xD;
	s1 =	sshrl.u32 s1, $0x2  }
0x31: {  	s3 =	sand.u32 $0x4000, s31;
	s1 =	sadd.s32 s1, s30  }
0x32: {  	s0 =	sor.u32 s3, s0;
	s1 =	sshll.u32 s1, $0x11  }
0x33: {  	s0 =	sor.u32 s1, s0  }
0x34: {  	s0 =	sadd.s32 $0x8F2B, s0  }
0x35: {  	[sflag:s0] =	ssyncadd.remote.s32 $0x1  }
0x36: {  	_ =	sfence.sel $0xFFFF  }
0x37: {  	[dreg:$0x0] =	wrdreg $0xFFFFFFFF;
	(pc) =	sbr.abs _section_cstart, $3  }
0x38: {  	[dreg:$0x1] =	wrdreg $0xFFFFFFFF  }
0x39: {  	_ =	task.clear_ibuf [dreg:s7], $0x2FFFF;
	_ =	strace $0x9FFFFFFF  }
0x3a: {  	(tm) =	ssettm $0x7FFFFFFF  }
0x3b: {  	_ =	shalt  }
tec
execute0_lowered:
.L_overlay_start_1:
0x0: {  	(tag) =	ssettag $0x1  }
0x1: {  	s0 =	srdreg.scid  }
0x2: {  	s1 =	sshll.u32 s0, $0x4  }
0x3: {  	s0 =	stileid.u32;
	s1 =	sand.u32 $0x10, s1  }
0x4: {  	s1 =	sor.u32 s0, s1  }
0x5: {  	s6 =	rddreg [dreg:$0x0];
	s4 =	simm.s32 $0x1;
	s2 =	sshll.u32 s1, $0x7  }
0x6: {  	s7 =	simm.s32 $0x2;
	s12 =	simm.s32 $0x0;
	s1 =	ssub.s32 $0x1000, s2  }
0x7: {  	s8 =	simm.s32 $0x8000;
	s13 =	simm.s32 $0x0;
	s3 =	sand.u32 $0xF80, s1  }
0x8: {  	s9 =	simm.s32 $0x0;
	s5 =	sshrl.u32 s1, $0xC;
	p0 =	sne.s32 s3, $0x0  }
.Ltmp0:
0x9: {  	s1 =	rddreg [dreg:$0x2];
	s4 =	simm.s32 @!p0 $0x0;
	(pc) =	sbr.rel .LBB1_1-.Ltmp0, $4  }
0xa: {  	s11 =	simm.s32 $0x0;
	s3 =	rddreg [dreg:$0x1];
	s5 =	sadd.s32 s4, s5  }
0xb: {  	_ =	strace $0x8000004A;
	s4 =	simm.s32 $0x1;
	s5 =	smul.u32 $0x32, s5  }
0xc: {  	s6 =	sadd.s32 $0xA00, s6;
	s10 =	smov.u32 s2;
	[sflag:s4] =	ssyncpa.u1 $0x0  }
0xd: {  	p0 =	por $0x0, $0x0;
	[sflag:s7] =	ssyncpa.u1 $0x0;
	s7 =	sor.u32 $0x1, s5  }
.LBB1_4:
0xe: {  	s16 =	sshll.u32 s13, $0x3;
	s17 =	sand.u32 $0x78, s13  }
0xf: {  	s30 =	sand.u32 $0x7E00, s13;
	s12 =	sshll.u32 s12, $0xF;
	s16 =	sand.u32 $0xC00, s16  }
0x10: {  	[tilespmem:s15+$0x810 ss:$0x81] =	vst.msk $0xffff, v2;
	s31 =	sand.u32 $0x7, s13;
	s16 =	sor.u32 s17, s16;
	s17 =	sadd.s32 s3, s30  }
0x11: {  	[tilespmem:s15+$0x1020 ss:$0x81] =	vst.msk $0xffff, v0;
	s13 =	sshll.u32 s31, $0x12;
	s12 =	sadd.s32 s12, s17;
	s16 =	sshrl.u32 s16, $0x3  }
0x12: {  	[tilespmem:s15+$0x0 ss:$0x81] =	vst.msk $0xffff, v1;
	s13 =	sor.u32 $0x400, s13;
	s12 =	sadd.s32 s16, s12  }
0x13: {  	[hbm4b:s12+s13] =	stream.strided.scatter [tilespmem:s14], [sflag:$0x2], $0x2000, s8, s13, $0x20;
	[tilespmem:$0x8080] =	vst v63  }
.LBB1_5:
0x14: {  	s14 =	sadd.s32 $0x1, s9  }
0x15: {  	s12 =	sadd.s32 $0x1000, s10;
	s16 =	smov.u32 s10;
	p2 =	sgt.s32 s14, $0x31  }
0x16: {  	s16 =	smov.u32 @p2 s12  }
0x17: {  	s14 =	simm.s32 @p2 $0x0;
	p2 =	sgt.s32 s16, $0xFFF  }
0x18: {  	s16 =	smov.u32 @p2 s2;
	p2 =	sne.s32 s11, s7  }
.Ltmp1:
0x19: {  	p1 =	slt.u32 s11, $0x2;
	(pc) =	sbr.rel @!p2 .LBB1_6-.Ltmp1, $4  }
0x1a: {  	s15 =	simm.s32 @!p1 $0x2  }
0x1b: {  	s13 =	smov.u32 s10;
	p0 =	por !p0, !p0;
	_ =	swait.ge @!p1 [sflag:s15], $0x2000  }
0x1c: {  	s12 =	smov.u32 s9;
	[sflag:s15] =	ssyncset.done @!p1 $0x0;
	s9 =	smov.u32 s14  }
0x1d: {  	s11 =	sadd.s32 $0x1, s11;
	[sflag:s15] =	ssyncadd.s32 @!p1 $0xFFFFE000;
	s10 =	smov.u32 s16  }
.LBB1_1:
0x1e: {  	p1 =	sge.u32 s11, s5  }
0x1f: {  	s14 =	sand.u32 @!p1 $0x1FFFFFF, s9  }
0x20: {  	s15 =	smulhi.u32 @!p1 $0x4924925, s14;
	_ =	sdelay $0x1  }
0x21: {  	s15 =	smul.u32 @!p1 $0x38, s15  }
0x22: {  	s16 =	sxor.u32 @!p1 $0xFFFFFFFF, s11;
	s17 =	smul.u32 @!p1 $0x380, s10  }
0x23: {  	s31 =	sadd.s32 $0xFFFFFFFF, s11;
	s16 =	sshll.u32 @!p1 s16, $0xD;
	s14 =	ssub.s32 @!p1 s14, s15  }
0x24: {  	s15 =	sand.u32 @!p1 $0x2000, s16;
	s16 =	sadd.s32 @!p1 s6, s17;
	s14 =	sshll.u32 @!p1 s14, $0x4  }
0x25: {  	s17 =	simm.s32 @!p1 $0x1C00;
	s14 =	sadd.s32 @!p1 s14, s16;
	s16 =	simm.s32 @!p1 $0x40  }
0x26: {  	[tilespmem:s15], [sflag:$0x1] =	stream.strided.gather @!p1 [hbm4b:s14+s16], $0x2000, s17, s16, $0x38;
	[tilespmem:$0x8080] =	vst v63  }
0x27: {  	p1 =	sge.u32 s31, s5  }
.Ltmp2:
0x28: {  	_ = 	snop;
	(pc) =	sbr.rel @p1 .LBB1_5-.Ltmp2, $1  }
0x29: {  	_ =	sdelay $0x3  }
0x2a: {  	s14 =	simm.s32 $0x1  }
0x2b: {  	_ =	swait.ge [sflag:s4], $0x2000;
	s14 =	simm.s32 @!p0 $0x0  }
0x2c: {  	[sflag:s4] =	ssyncset.done $0x0;
	s15 =	sshll.u32 s14, $0xD  }
0x2d: {  	[sflag:s4] =	ssyncadd.s32 $0xFFFFE000;
	s18 =	sor.u32 $0x20, s15  }
0x2e: {  	s14 =	smul.u32 $0x8100, s14;
	v3 =	vld [tilespmem:s18+$0x10]  }
0x2f: {  	s30 =	sand.u32 $0x1, s11;
	v2 =	vld [tilespmem:s18+$0xFFFFFFF0]  }
0x30: {  	s15 =	smul.u32 $0x8100, s30;
	s14 =	sshrl.u32 s14, $0x2;
	v0 =	vld [tilespmem:s18+$0x0]  }
0x31: {  	v1 =	vld [tilespmem:s18+$0xFFFFFFE0];
	s16 =	sor.u32 $0x4000, s14  }
0x32: {  	s31 =	sshrl.u32 s15, $0x2;
	s15 =	sadd.s32 $0x0, s16  }
0x33: {  	s17 =	simm.s32 $0x4;
	s18 =	sadd.s32 $0x40, s18;
	s14 =	sor.u32 $0x4000, s31;
	[tilespmem:s15+$0x1830 ss:$0x81] =	vst.msk $0xffff, v3  }
.LBB1_3:
0x34: {  	v3 =	vld [tilespmem:s18+$0x10];
	p1 =	sne.s32 s17, $0x1FC;
	[tilespmem:s15+$0x810 ss:$0x81] =	vst.msk $0xffff, v2;
	s19 =	smov.u32 s17;
	s17 =	sadd.s32 $0x4, s17  }
.Ltmp3:
0x35: {  	v2 =	vld [tilespmem:s18+$0xFFFFFFF0];
	[tilespmem:s15+$0x1020 ss:$0x81] =	vst.msk $0xffff, v0;
	(pc) =	sbr.rel @p1 .LBB1_3-.Ltmp3, $4  }
0x36: {  	v0 =	vld [tilespmem:s18+$0x0];
	[tilespmem:s15+$0x0 ss:$0x81] =	vst.msk $0xffff, v1  }
0x37: {  	s15 =	sshra.s32 s19, $0x2;
	v1 =	vld [tilespmem:s18+$0xFFFFFFE0]  }
0x38: {  	s15 =	sadd.s32 s15, s16  }
0x39: {  	s18 =	sadd.s32 $0x40, s18;
	[tilespmem:s15+$0x1830 ss:$0x81] =	vst.msk $0xffff, v3  }
.Ltmp4:
0x3a: {  	_ = 	snop;
	(pc) =	sbr.rel .LBB1_4-.Ltmp4, $1  }
0x3b: {  	_ =	sdelay $0x3  }
.LBB1_6:
0x3c: {  	_ =	sfence.sel $0x180000  }
0x3d: {  	s2 =	simm.s32 $0x1;
	[bflag:$0x0] =	sbarrier.arrive $0xFFFF  }
0x3e: {  	s31 =	simm.s32 $0x2;
	[sflag:s2] =	ssyncpa.u1 $0x1  }
0x3f: {  	[sflag:s31] =	ssyncpa.u1 $0x1  }
0x40: {  	p0 =	sne.s32 s0, $0x0;
	_ =	strace $0x9000004A  }
0x41: {  	s0 =	sadd.s32 @!p0 $0x100000, s1;
	[bflag:$0x2] =	sbarrier.arrive $0xFFFF  }
0x42: {  	[sflag:s0] =	ssyncadd.tile.s32 @!p0 $0x1;
	_ =	shalt  }
.Lfunc_end1:
_tile_overlayer_lowered:
.L_overlay_start_2:
0x43: {  	(tag) =	ssettag $0x2  }
0x44: {  	s0 =	rddreg [dreg:$0x0];
	s2 =	stileid.u32  }
0x45: {  	s1 =	rddreg [dreg:$0x1];
	p0 =	sne.s32 s2, $0x0  }
0x46: {  	s3 =	rddreg [dreg:$0x2];
	[bflag:$0x3] =	sbarrier.arrive $0xFFFF;
	s2 =	simm.s32 @!p0 $0x1C01  }
0x47: {  	[timem:s3], [sflag:s2] =	dma.local @!p0 [hbm:s0], s1  }
0x48: {  	s0 =	simm.s32 @!p0 $0x1  }
0x49: {  	_ =	swait.ge @!p0 [sflag:s0], s1  }
0x4a: {  	s1 =	ssub.s32 @!p0 $0x0, s1;
	[sflag:s0] =	ssyncset.done @!p0 $0x0  }
0x4b: {  	[sflag:s0] =	ssyncadd.s32 @!p0 s1  }
0x4c: {  	[bflag:$0x3] =	sbarrier.arrive $0xFFFF  }
0x4d: {  	_ =	shalt  }

</sc_bundles>
